<compile_context>
chip_gen: v7x
topology: tpu7x:2x2x1
jax: 0.10.2.dev20260603
libtpu: 0.0.44.dev20260713+nightly
codegen_flags: <defaults>
</compile_context>

<pallas_src>
import functools

import jax
import jax.numpy as jnp
from jax import lax
from jax.experimental import pallas as pl
from jax.experimental.pallas import tpu as pltpu
from jax.experimental.pallas import tpu_sc as plsc

N = 10000
D = 128
E = 320000
NC = 2
NS = 16
L = 16
NW = NC * NS
EPW = E // NW
C = 80
J = EPW // C
WCH = 80
NCH = N // WCH

_MESH = dict(core_axis_name="c", subcore_axis_name="s", num_cores=NC,
             num_subcores=NS)


def _scores_body(x_ref, w_ref, b_ref, o_ref):
  s = lax.dot_general(x_ref[...], w_ref[...], (((1,), (0,)), ((), ())),
                      preferred_element_type=jnp.float32)
  s = s + b_ref[0, 0]
  m = jnp.max(s)
  o_ref[...] = jnp.exp(s - m)


def _exp_scores(x, gate_w, gate_b):
  return pl.pallas_call(
      _scores_body,
      out_shape=jax.ShapeDtypeStruct((N, 1), jnp.float32),
  )(x, gate_w.reshape(D, 1), gate_b.reshape(1, 1))


def _own_body(src_hbm, dst_hbm, t_hbm, src_v, dst_v, keys_v, eids_v, sem):
  cid = lax.axis_index("c")
  sid = lax.axis_index("s")
  wid = sid * NC + cid
  pltpu.sync_copy(src_hbm.at[wid], src_v)
  pltpu.sync_copy(dst_hbm.at[wid], dst_v)
  iota = lax.iota(jnp.int32, L)

  @pl.loop(0, J)
  def _build(j):
    for i in range(C // L):
      sl = pl.ds(i * L, L)
      keys_v[j, sl] = dst_v[j, sl] * N + src_v[j, sl]
      eids_v[j, sl] = iota + (wid * EPW + j * C + i * L)

  @pl.loop(0, J)
  def _scatter(j):
    pltpu.async_copy(eids_v.at[j], t_hbm.at[keys_v.at[j]], sem).wait()


def _own_table(src_r, dst_r):
  kern = functools.partial(
      pl.kernel,
      out_type=jax.ShapeDtypeStruct((N * N,), jnp.int32),
      mesh=plsc.VectorSubcoreMesh(**_MESH),
      compiler_params=pltpu.CompilerParams(needs_layout_passes=False),
      scratch_types=[
          pltpu.VMEM((J, C), jnp.int32),
          pltpu.VMEM((J, C), jnp.int32),
          pltpu.VMEM((J, C), jnp.int32),
          pltpu.VMEM((J, C), jnp.int32),
          pltpu.SemaphoreType.DMA,
      ],
  )(_own_body)
  return kern(src_r, dst_r)


def _agg_body(edges_hbm, t_hbm, exps_hbm, x_hbm, a_hbm, d_hbm,
              e_c, keys_c, exps_v, rows_v, w_v, own_v, den_v,
              acc_sh, den_sh, sem_a, sem_b):
  cid = lax.axis_index("c")
  sid = lax.axis_index("s")
  wid = sid * NC + cid
  iota = lax.iota(jnp.int32, L)

  @pl.loop(0, C)
  def _zrow(r):
    for f in range(D // L):
      rows_v[r, pl.ds(f * L, L)] = jnp.zeros((L,), jnp.float32)

  @pl.loop(0, 1024 // L)
  def _zden_fill(i):
    den_v[pl.ds(i * L, L)] = jnp.zeros((L,), jnp.float32)

  for k in range(NCH // NS + 1):
    c = sid + k * NS

    @pl.when(c < NCH)
    def _zchunk():
      pltpu.sync_copy(rows_v, acc_sh.at[pl.ds(c * WCH, WCH), :])

  @pl.when(sid < 10)
  def _zden():
    pltpu.sync_copy(den_v.at[pl.ds(0, 1000)],
                    den_sh.at[pl.ds(sid * 1000, 1000)])

  pltpu.sync_copy(exps_hbm, exps_v)

  plsc.subcore_barrier()

  @pl.loop(0, J)
  def _chunk(j):
    pltpu.sync_copy(edges_hbm.at[wid, j], e_c)
    for i in range(C // L):
      sl = pl.ds(i * L, L)
      keys_c[sl] = e_c[0, sl] * N + e_c[1, sl]
    own_cp = pltpu.async_copy(t_hbm.at[keys_c], own_v, sem_a)
    rows_cp = pltpu.async_copy(x_hbm.at[e_c.at[1]], rows_v, sem_b)
    own_cp.wait()
    rows_cp.wait()
    for i in range(C // L):
      sl = pl.ds(i * L, L)
      e16 = plsc.load_gather(exps_v, [e_c[1, sl]])
      eid16 = iota + (wid * EPW + j * C + i * L)
      w_v[sl] = jnp.where(own_v[sl] == eid16, e16,
                          jnp.zeros((L,), jnp.float32))

    @pl.loop(0, C)
    def _scale(e):
      wb = plsc.load_gather(w_v, [jnp.full((L,), e, jnp.int32)])
      for f in range(D // L):
        fs = pl.ds(f * L, L)
        rows_v[e, fs] = rows_v[e, fs] * wb

    acc_cp = pltpu.async_copy(rows_v, acc_sh.at[e_c.at[0]], sem_a, add=True)
    den_cp = pltpu.async_copy(w_v, den_sh.at[e_c.at[0]], sem_b, add=True)
    acc_cp.wait()
    den_cp.wait()

  plsc.subcore_barrier()

  for k in range(NCH // NS + 1):
    c = sid + k * NS

    @pl.when(c < NCH)
    def _wchunk():
      pltpu.sync_copy(acc_sh.at[pl.ds(c * WCH, WCH), :], rows_v)
      pltpu.sync_copy(rows_v, a_hbm.at[cid, c])

  @pl.when(sid < 10)
  def _wden():
    pltpu.sync_copy(den_sh.at[pl.ds(sid * 1000, 1000)],
                    den_v.at[pl.ds(0, 1000)])
    pltpu.sync_copy(den_v, d_hbm.at[cid, sid])


def _aggregate(edges, table, exps, x):
  kern = functools.partial(
      pl.kernel,
      out_type=(jax.ShapeDtypeStruct((NC, NCH, WCH, D), jnp.float32),
                jax.ShapeDtypeStruct((NC, 10, 1024), jnp.float32)),
      mesh=plsc.VectorSubcoreMesh(**_MESH),
      compiler_params=pltpu.CompilerParams(needs_layout_passes=False),
      scratch_types=[
          pltpu.VMEM((2, C), jnp.int32),
          pltpu.VMEM((C,), jnp.int32),
          pltpu.VMEM((N,), jnp.float32),
          pltpu.VMEM((C, D), jnp.float32),
          pltpu.VMEM((C,), jnp.float32),
          pltpu.VMEM((C,), jnp.int32),
          pltpu.VMEM((1024,), jnp.float32),
          pltpu.VMEM_SHARED((N, D), jnp.float32),
          pltpu.VMEM_SHARED((N,), jnp.float32),
          pltpu.SemaphoreType.DMA,
          pltpu.SemaphoreType.DMA,
      ],
  )(_agg_body)
  return kern(edges, table, exps, x)


def _final_body(x_ref, a_ref, d0_ref, d1_ref, o_ref):
  den = jnp.maximum(d0_ref[...] + d1_ref[...], 1e-16)
  att = (a_ref[0] + a_ref[1]) / den
  o_ref[...] = jnp.concatenate([x_ref[...], att], axis=1)


def _finalize(x, a_part, d_part):
  rows = 1000
  d0 = d_part[0].reshape(N, 1)
  d1 = d_part[1].reshape(N, 1)
  return pl.pallas_call(
      _final_body,
      grid=(N // rows,),
      in_specs=[
          pl.BlockSpec((rows, D), lambda g: (g, 0)),
          pl.BlockSpec((NC, rows, D), lambda g: (0, g, 0)),
          pl.BlockSpec((rows, 1), lambda g: (g, 0)),
          pl.BlockSpec((rows, 1), lambda g: (g, 0)),
      ],
      out_specs=pl.BlockSpec((rows, 2 * D), lambda g: (g, 0)),
      out_shape=jax.ShapeDtypeStruct((N, 2 * D), jnp.float32),
  )(x, a_part, d0, d1)


def kernel(x, edge_index, gate_w, gate_b):
  dst = edge_index[0].astype(jnp.int32).reshape(NW, J, C)
  src = edge_index[1].astype(jnp.int32).reshape(NW, J, C)
  edges = jnp.stack([dst, src], axis=2)
  exps = _exp_scores(x, gate_w, gate_b)
  table = _own_table(src, dst)
  a_part, d_part = _aggregate(edges, table, exps.reshape(N), x)
  den = d_part[:, :, :1000].reshape(NC, N)
  return _finalize(x, a_part.reshape(NC, N, D), den)

# --- scband reference (transcript-rebuilt; emitter-appended) ---
"""Pipeline reference for scband-attention-node-label-aggregation-5153960755613 (READ-ONLY COPY).

The authoritative reference and input builder live on the scoring server;
editing this copy changes nothing except your own understanding.
"""

import jax, jax.numpy as jnp
import numpy as np


def setup_inputs(seed: int = 0) -> dict:
    key = jax.random.key(seed)
    k1, k2, k3, k4 = jax.random.split(key, 4)
    n_nodes = 10000
    d = 128
    n_edges = 320000
    x = jax.random.normal(k1, (n_nodes, d), dtype=jnp.float32)
    edge_index = jax.random.randint(k2, (2, n_edges), 0, n_nodes, dtype=jnp.int64)
    # gate_nn = nn.Linear(n_input, 1)
    bound = 1.0 / np.sqrt(d)
    gate_w = jax.random.uniform(k3, (1, d), dtype=jnp.float32, minval=-bound, maxval=bound)
    gate_b = jax.random.uniform(k4, (1,), dtype=jnp.float32, minval=-bound, maxval=bound)
    return {"x": x, "edge_index": edge_index, "gate_w": gate_w, "gate_b": gate_b}


def reference(x, edge_index, gate_w, gate_b):
    n_nodes = x.shape[0]
    # to_dense_adj(edge_index, max_num_nodes=n_nodes).squeeze(0)
    adj = jnp.zeros((n_nodes, n_nodes), dtype=x.dtype)
    adj = adj.at[edge_index[0], edge_index[1]].set(1.0)
    # AttentionalAggregation with gate_nn = Linear(d, 1):
    # per destination node i, softmax over neighbors j (adj[i, j] > 0) of
    # gate scores, then weighted sum of neighbor features.
    scores = x @ gate_w.T + gate_b  # [N, 1]
    scores = scores[:, 0]  # [N]
    neg_inf = jnp.array(-jnp.inf, dtype=x.dtype)
    logits = jnp.where(adj > 0, scores[None, :], neg_inf)  # [N, N]
    mx = jnp.max(logits, axis=1, keepdims=True)
    mx = jnp.where(jnp.isfinite(mx), mx, 0.0)  # guard isolated nodes
    ex = jnp.where(adj > 0, jnp.exp(logits - mx), 0.0)
    denom = jnp.sum(ex, axis=1, keepdims=True)
    attn = ex / jnp.maximum(denom, 1e-16)  # [N, N] row-softmax over neighbors
    x_neighbors_att = attn @ x  # [N, d]
    node_labels = jnp.concatenate([x, x_neighbors_att], axis=-1)  # [N, 2d]
    return node_labels

if __name__ == "__main__":
    import jax
    _d = setup_inputs()
    print(jax.jit(kernel)(*tuple(_d.values())))

</pallas_src>

<mosaic_0001>
#map = affine_map<(d0, d1) -> (0, 0, 0, 0)>
#map1 = affine_map<(d0, d1) -> (0)>
#map2 = affine_map<(d0, d1) -> (0, 0)>
#map3 = affine_map<(d0, d1) -> (0, 0, 0)>
module attributes {stable_mosaic.version = 14 : i64} {
  func.func @_agg_body(%arg0: i32, %arg1: i32, %arg2: memref<32x125x2x80xi32, #tpu.memory_space<hbm>>, %arg3: memref<100000000xi32, #tpu.memory_space<hbm>>, %arg4: memref<10000xf32, #tpu.memory_space<hbm>>, %arg5: memref<10000x128xf32, #tpu.memory_space<hbm>>, %arg6: memref<2x125x80x128xf32, #tpu.memory_space<hbm>>, %arg7: memref<2x10x1024xf32, #tpu.memory_space<hbm>>, %arg8: memref<2x80xi32, #tpu.memory_space<vmem>>, %arg9: memref<80xi32, #tpu.memory_space<vmem>>, %arg10: memref<10000xf32, #tpu.memory_space<vmem>>, %arg11: memref<80x128xf32, #tpu.memory_space<vmem>>, %arg12: memref<80xf32, #tpu.memory_space<vmem>>, %arg13: memref<80xi32, #tpu.memory_space<vmem>>, %arg14: memref<1024xf32, #tpu.memory_space<vmem>>, %arg15: memref<10000x128xf32, #tpu.memory_space<vmem_shared>>, %arg16: memref<10000xf32, #tpu.memory_space<vmem_shared>>, %arg17: memref<!tpu.dma_semaphore, #tpu.memory_space<semaphore_mem>>, %arg18: memref<!tpu.dma_semaphore, #tpu.memory_space<semaphore_mem>>) attributes {dimension_semantics = [#tpu.dimension_semantics<core_parallel>, #tpu.dimension_semantics<subcore_parallel>], iteration_bounds = array<i64: 2, 16>, scalar_prefetch = 0 : i64, scratch_operands = 11 : i64, tpu.core_type = #tpu.core_type<sc_vector_subcore>, window_params = [{transform_indices = #map}, {transform_indices = #map1}, {transform_indices = #map1}, {transform_indices = #map2}, {transform_indices = #map}, {transform_indices = #map3}]} {
    %mul3A = arith.constant 2 : i32
    %mul3A_0 = arith.muli %arg1, %mul3A : i32
    %add3A = arith.addi %mul3A_0, %arg0 : i32
    %iota3A = tpu.iota {dimensions = array<i32: 0>} : vector<16xi32>
    %scan3A = arith.constant 0 : i32
    %scan3A_1 = arith.constant 80 : i32
    %scan3A_2 = arith.addi %scan3A, %scan3A_1 : i32
    %scan3A_3 = arith.constant 1 : i32
    scf.for %scan3A_135 = %scan3A to %scan3A_2 step %scan3A_3  : i32 {
      %mul3A_136 = arith.constant 1 : i32
      %mul3A_137 = arith.muli %scan3A_135, %mul3A_136 : i32
      %add3A_138 = arith.constant 0 : i32
      %add3A_139 = arith.addi %add3A_138, %mul3A_137 : i32
      %broadcast_in_dim3A = arith.constant 0.000000e+00 : f32
      %broadcast_in_dim3A_140 = vector.broadcast %broadcast_in_dim3A : f32 to vector<16xf32>
      %swap3A = arith.index_cast %add3A_139 : i32 to index
      %swap3A_141 = arith.constant 0 : index
      %swap3A_142 = tpu.vector_load %arg11[%swap3A, %swap3A_141] {strides = array<i32>} : memref<80x128xf32, #tpu.memory_space<vmem>>, vector<16xf32>,
      tpu.vector_store %arg11[%swap3A, %swap3A_141], %broadcast_in_dim3A_140 {strides = array<i32>} : memref<80x128xf32, #tpu.memory_space<vmem>>, vector<16xf32>,
      %broadcast_in_dim3A_143 = arith.constant 0.000000e+00 : f32
      %broadcast_in_dim3A_144 = vector.broadcast %broadcast_in_dim3A_143 : f32 to vector<16xf32>
      %swap3A_145 = arith.index_cast %add3A_139 : i32 to index
      %swap3A_146 = arith.constant 16 : index
      %swap3A_147 = tpu.vector_load %arg11[%swap3A_145, %swap3A_146] {strides = array<i32>} : memref<80x128xf32, #tpu.memory_space<vmem>>, vector<16xf32>,
      tpu.vector_store %arg11[%swap3A_145, %swap3A_146], %broadcast_in_dim3A_144 {strides = array<i32>} : memref<80x128xf32, #tpu.memory_space<vmem>>, vector<16xf32>,
      %broadcast_in_dim3A_148 = arith.constant 0.000000e+00 : f32
      %broadcast_in_dim3A_149 = vector.broadcast %broadcast_in_dim3A_148 : f32 to vector<16xf32>
      %swap3A_150 = arith.index_cast %add3A_139 : i32 to index
      %swap3A_151 = arith.constant 32 : index
      %swap3A_152 = tpu.vector_load %arg11[%swap3A_150, %swap3A_151] {strides = array<i32>} : memref<80x128xf32, #tpu.memory_space<vmem>>, vector<16xf32>,
      tpu.vector_store %arg11[%swap3A_150, %swap3A_151], %broadcast_in_dim3A_149 {strides = array<i32>} : memref<80x128xf32, #tpu.memory_space<vmem>>, vector<16xf32>,
      %broadcast_in_dim3A_153 = arith.constant 0.000000e+00 : f32
      %broadcast_in_dim3A_154 = vector.broadcast %broadcast_in_dim3A_153 : f32 to vector<16xf32>
      %swap3A_155 = arith.index_cast %add3A_139 : i32 to index
      %swap3A_156 = arith.constant 48 : index
      %swap3A_157 = tpu.vector_load %arg11[%swap3A_155, %swap3A_156] {strides = array<i32>} : memref<80x128xf32, #tpu.memory_space<vmem>>, vector<16xf32>,
      tpu.vector_store %arg11[%swap3A_155, %swap3A_156], %broadcast_in_dim3A_154 {strides = array<i32>} : memref<80x128xf32, #tpu.memory_space<vmem>>, vector<16xf32>,
      %broadcast_in_dim3A_158 = arith.constant 0.000000e+00 : f32
      %broadcast_in_dim3A_159 = vector.broadcast %broadcast_in_dim3A_158 : f32 to vector<16xf32>
      %swap3A_160 = arith.index_cast %add3A_139 : i32 to index
      %swap3A_161 = arith.constant 64 : index
      %swap3A_162 = tpu.vector_load %arg11[%swap3A_160, %swap3A_161] {strides = array<i32>} : memref<80x128xf32, #tpu.memory_space<vmem>>, vector<16xf32>,
      tpu.vector_store %arg11[%swap3A_160, %swap3A_161], %broadcast_in_dim3A_159 {strides = array<i32>} : memref<80x128xf32, #tpu.memory_space<vmem>>, vector<16xf32>,
      %broadcast_in_dim3A_163 = arith.constant 0.000000e+00 : f32
      %broadcast_in_dim3A_164 = vector.broadcast %broadcast_in_dim3A_163 : f32 to vector<16xf32>
      %swap3A_165 = arith.index_cast %add3A_139 : i32 to index
      %swap3A_166 = arith.constant 80 : index
      %swap3A_167 = tpu.vector_load %arg11[%swap3A_165, %swap3A_166] {strides = array<i32>} : memref<80x128xf32, #tpu.memory_space<vmem>>, vector<16xf32>,
      tpu.vector_store %arg11[%swap3A_165, %swap3A_166], %broadcast_in_dim3A_164 {strides = array<i32>} : memref<80x128xf32, #tpu.memory_space<vmem>>, vector<16xf32>,
      %broadcast_in_dim3A_168 = arith.constant 0.000000e+00 : f32
      %broadcast_in_dim3A_169 = vector.broadcast %broadcast_in_dim3A_168 : f32 to vector<16xf32>
      %swap3A_170 = arith.index_cast %add3A_139 : i32 to index
      %swap3A_171 = arith.constant 96 : index
      %swap3A_172 = tpu.vector_load %arg11[%swap3A_170, %swap3A_171] {strides = array<i32>} : memref<80x128xf32, #tpu.memory_space<vmem>>, vector<16xf32>,
      tpu.vector_store %arg11[%swap3A_170, %swap3A_171], %broadcast_in_dim3A_169 {strides = array<i32>} : memref<80x128xf32, #tpu.memory_space<vmem>>, vector<16xf32>,
      %broadcast_in_dim3A_173 = arith.constant 0.000000e+00 : f32
      %broadcast_in_dim3A_174 = vector.broadcast %broadcast_in_dim3A_173 : f32 to vector<16xf32>
      %swap3A_175 = arith.index_cast %add3A_139 : i32 to index
      %swap3A_176 = arith.constant 112 : index
      %swap3A_177 = tpu.vector_load %arg11[%swap3A_175, %swap3A_176] {strides = array<i32>} : memref<80x128xf32, #tpu.memory_space<vmem>>, vector<16xf32>,
      tpu.vector_store %arg11[%swap3A_175, %swap3A_176], %broadcast_in_dim3A_174 {strides = array<i32>} : memref<80x128xf32, #tpu.memory_space<vmem>>, vector<16xf32>,
    }
    %scan3A_4 = arith.constant 80 : i32
    %scan3A_5 = arith.constant 0 : i32
    %scan3A_6 = arith.constant 64 : i32
    %scan3A_7 = arith.addi %scan3A_5, %scan3A_6 : i32
    %scan3A_8 = arith.constant 1 : i32
    scf.for %scan3A_135 = %scan3A_5 to %scan3A_7 step %scan3A_8  : i32 {
      %mul3A_136 = arith.constant 1 : i32
      %mul3A_137 = arith.muli %scan3A_135, %mul3A_136 : i32
      %add3A_138 = arith.constant 0 : i32
      %add3A_139 = arith.addi %add3A_138, %mul3A_137 : i32
      %broadcast_in_dim3A = arith.constant 0.000000e+00 : f32
      %broadcast_in_dim3A_140 = vector.broadcast %broadcast_in_dim3A : f32 to vector<16xf32>
      %mul3A_141 = arith.constant 16 : i32
      %mul3A_142 = arith.muli %add3A_139, %mul3A_141 : i32
      %swap3A = arith.index_cast %mul3A_142 : i32 to index
      %swap3A_143 = tpu.vector_load %arg14[%swap3A] {strides = array<i32>} : memref<1024xf32, #tpu.memory_space<vmem>>, vector<16xf32>,
      tpu.vector_store %arg14[%swap3A], %broadcast_in_dim3A_140 {strides = array<i32>} : memref<1024xf32, #tpu.memory_space<vmem>>, vector<16xf32>,
    }
    %scan3A_9 = arith.constant 64 : i32
    %add3A_10 = arith.constant 0 : i32
    %add3A_11 = arith.addi %arg1, %add3A_10 : i32
    %lt3A = arith.constant 125 : i32
    %lt3A_12 = arith.cmpi slt, %add3A_11, %lt3A : i32
    %convert_element_type3A = arith.extui %lt3A_12 : i1 to i32
    %cond3A = arith.constant 0 : i32
    %cond3A_13 = arith.cmpi ne, %convert_element_type3A, %cond3A : i32
    scf.if %cond3A_13 {
      %mul3A_135 = arith.constant 80 : i32
      %mul3A_136 = arith.muli %add3A_11, %mul3A_135 : i32
      "tpu.region"() ({
        %run_scoped3A = tpu.sem_alloc : memref<!tpu.dma_semaphore, #tpu.memory_space<semaphore_mem>>
        %dma_start3A = arith.constant 0 : i32
        %dma_start3A_137 = tpu.memref_slice %arg15[%mul3A_136, %dma_start3A] : memref<10000x128xf32, #tpu.memory_space<vmem_shared>> -> memref<80x128xf32, #tpu.memory_space<vmem_shared>>
        %dma_start3A_138 = arith.constant 0 : i32
        %dma_start3A_139 = tpu.memref_slice %arg15[%mul3A_136, %dma_start3A_138] : memref<10000x128xf32, #tpu.memory_space<vmem_shared>> -> memref<80x128xf32, #tpu.memory_space<vmem_shared>>
        tpu.enqueue_dma source(%arg11 : memref<80x128xf32, #tpu.memory_space<vmem>>) target(%dma_start3A_139 : memref<80x128xf32, #tpu.memory_space<vmem_shared>>) target_semaphore(%run_scoped3A : memref<!tpu.dma_semaphore, #tpu.memory_space<semaphore_mem>>)
        %dma_wait3A = arith.constant 0 : i32
        %dma_wait3A_140 = tpu.memref_slice %arg15[%mul3A_136, %dma_wait3A] : memref<10000x128xf32, #tpu.memory_space<vmem_shared>> -> memref<80x128xf32, #tpu.memory_space<vmem_shared>>
        %dma_wait3A_141 = arith.constant 0 : i32
        %dma_wait3A_142 = tpu.memref_slice %arg15[%mul3A_136, %dma_wait3A_141] : memref<10000x128xf32, #tpu.memory_space<vmem_shared>> -> memref<80x128xf32, #tpu.memory_space<vmem_shared>>
        tpu.wait_dma2 semaphore(%run_scoped3A : memref<!tpu.dma_semaphore, #tpu.memory_space<semaphore_mem>>) src(%arg11 : memref<80x128xf32, #tpu.memory_space<vmem>>) dst(%dma_wait3A_142 : memref<80x128xf32, #tpu.memory_space<vmem_shared>>)
        tpu.yield
      }) : () -> ()
    } else {
    }
    %add3A_14 = arith.constant 16 : i32
    %add3A_15 = arith.addi %arg1, %add3A_14 : i32
    %lt3A_16 = arith.constant 125 : i32
    %lt3A_17 = arith.cmpi slt, %add3A_15, %lt3A_16 : i32
    %convert_element_type3A_18 = arith.extui %lt3A_17 : i1 to i32
    %cond3A_19 = arith.constant 0 : i32
    %cond3A_20 = arith.cmpi ne, %convert_element_type3A_18, %cond3A_19 : i32
    scf.if %cond3A_20 {
      %mul3A_135 = arith.constant 80 : i32
      %mul3A_136 = arith.muli %add3A_15, %mul3A_135 : i32
      "tpu.region"() ({
        %run_scoped3A = tpu.sem_alloc : memref<!tpu.dma_semaphore, #tpu.memory_space<semaphore_mem>>
        %dma_start3A = arith.constant 0 : i32
        %dma_start3A_137 = tpu.memref_slice %arg15[%mul3A_136, %dma_start3A] : memref<10000x128xf32, #tpu.memory_space<vmem_shared>> -> memref<80x128xf32, #tpu.memory_space<vmem_shared>>
        %dma_start3A_138 = arith.constant 0 : i32
        %dma_start3A_139 = tpu.memref_slice %arg15[%mul3A_136, %dma_start3A_138] : memref<10000x128xf32, #tpu.memory_space<vmem_shared>> -> memref<80x128xf32, #tpu.memory_space<vmem_shared>>
        tpu.enqueue_dma source(%arg11 : memref<80x128xf32, #tpu.memory_space<vmem>>) target(%dma_start3A_139 : memref<80x128xf32, #tpu.memory_space<vmem_shared>>) target_semaphore(%run_scoped3A : memref<!tpu.dma_semaphore, #tpu.memory_space<semaphore_mem>>)
        %dma_wait3A = arith.constant 0 : i32
        %dma_wait3A_140 = tpu.memref_slice %arg15[%mul3A_136, %dma_wait3A] : memref<10000x128xf32, #tpu.memory_space<vmem_shared>> -> memref<80x128xf32, #tpu.memory_space<vmem_shared>>
        %dma_wait3A_141 = arith.constant 0 : i32
        %dma_wait3A_142 = tpu.memref_slice %arg15[%mul3A_136, %dma_wait3A_141] : memref<10000x128xf32, #tpu.memory_space<vmem_shared>> -> memref<80x128xf32, #tpu.memory_space<vmem_shared>>
        tpu.wait_dma2 semaphore(%run_scoped3A : memref<!tpu.dma_semaphore, #tpu.memory_space<semaphore_mem>>) src(%arg11 : memref<80x128xf32, #tpu.memory_space<vmem>>) dst(%dma_wait3A_142 : memref<80x128xf32, #tpu.memory_space<vmem_shared>>)
        tpu.yield
      }) : () -> ()
    } else {
    }
    %add3A_21 = arith.constant 32 : i32
    %add3A_22 = arith.addi %arg1, %add3A_21 : i32
    %lt3A_23 = arith.constant 125 : i32
    %lt3A_24 = arith.cmpi slt, %add3A_22, %lt3A_23 : i32
    %convert_element_type3A_25 = arith.extui %lt3A_24 : i1 to i32
    %cond3A_26 = arith.constant 0 : i32
    %cond3A_27 = arith.cmpi ne, %convert_element_type3A_25, %cond3A_26 : i32
    scf.if %cond3A_27 {
      %mul3A_135 = arith.constant 80 : i32
      %mul3A_136 = arith.muli %add3A_22, %mul3A_135 : i32
      "tpu.region"() ({
        %run_scoped3A = tpu.sem_alloc : memref<!tpu.dma_semaphore, #tpu.memory_space<semaphore_mem>>
        %dma_start3A = arith.constant 0 : i32
        %dma_start3A_137 = tpu.memref_slice %arg15[%mul3A_136, %dma_start3A] : memref<10000x128xf32, #tpu.memory_space<vmem_shared>> -> memref<80x128xf32, #tpu.memory_space<vmem_shared>>
        %dma_start3A_138 = arith.constant 0 : i32
        %dma_start3A_139 = tpu.memref_slice %arg15[%mul3A_136, %dma_start3A_138] : memref<10000x128xf32, #tpu.memory_space<vmem_shared>> -> memref<80x128xf32, #tpu.memory_space<vmem_shared>>
        tpu.enqueue_dma source(%arg11 : memref<80x128xf32, #tpu.memory_space<vmem>>) target(%dma_start3A_139 : memref<80x128xf32, #tpu.memory_space<vmem_shared>>) target_semaphore(%run_scoped3A : memref<!tpu.dma_semaphore, #tpu.memory_space<semaphore_mem>>)
        %dma_wait3A = arith.constant 0 : i32
        %dma_wait3A_140 = tpu.memref_slice %arg15[%mul3A_136, %dma_wait3A] : memref<10000x128xf32, #tpu.memory_space<vmem_shared>> -> memref<80x128xf32, #tpu.memory_space<vmem_shared>>
        %dma_wait3A_141 = arith.constant 0 : i32
        %dma_wait3A_142 = tpu.memref_slice %arg15[%mul3A_136, %dma_wait3A_141] : memref<10000x128xf32, #tpu.memory_space<vmem_shared>> -> memref<80x128xf32, #tpu.memory_space<vmem_shared>>
        tpu.wait_dma2 semaphore(%run_scoped3A : memref<!tpu.dma_semaphore, #tpu.memory_space<semaphore_mem>>) src(%arg11 : memref<80x128xf32, #tpu.memory_space<vmem>>) dst(%dma_wait3A_142 : memref<80x128xf32, #tpu.memory_space<vmem_shared>>)
        tpu.yield
      }) : () -> ()
    } else {
    }
    %add3A_28 = arith.constant 48 : i32
    %add3A_29 = arith.addi %arg1, %add3A_28 : i32
    %lt3A_30 = arith.constant 125 : i32
    %lt3A_31 = arith.cmpi slt, %add3A_29, %lt3A_30 : i32
    %convert_element_type3A_32 = arith.extui %lt3A_31 : i1 to i32
    %cond3A_33 = arith.constant 0 : i32
    %cond3A_34 = arith.cmpi ne, %convert_element_type3A_32, %cond3A_33 : i32
    scf.if %cond3A_34 {
      %mul3A_135 = arith.constant 80 : i32
      %mul3A_136 = arith.muli %add3A_29, %mul3A_135 : i32
      "tpu.region"() ({
        %run_scoped3A = tpu.sem_alloc : memref<!tpu.dma_semaphore, #tpu.memory_space<semaphore_mem>>
        %dma_start3A = arith.constant 0 : i32
        %dma_start3A_137 = tpu.memref_slice %arg15[%mul3A_136, %dma_start3A] : memref<10000x128xf32, #tpu.memory_space<vmem_shared>> -> memref<80x128xf32, #tpu.memory_space<vmem_shared>>
        %dma_start3A_138 = arith.constant 0 : i32
        %dma_start3A_139 = tpu.memref_slice %arg15[%mul3A_136, %dma_start3A_138] : memref<10000x128xf32, #tpu.memory_space<vmem_shared>> -> memref<80x128xf32, #tpu.memory_space<vmem_shared>>
        tpu.enqueue_dma source(%arg11 : memref<80x128xf32, #tpu.memory_space<vmem>>) target(%dma_start3A_139 : memref<80x128xf32, #tpu.memory_space<vmem_shared>>) target_semaphore(%run_scoped3A : memref<!tpu.dma_semaphore, #tpu.memory_space<semaphore_mem>>)
        %dma_wait3A = arith.constant 0 : i32
        %dma_wait3A_140 = tpu.memref_slice %arg15[%mul3A_136, %dma_wait3A] : memref<10000x128xf32, #tpu.memory_space<vmem_shared>> -> memref<80x128xf32, #tpu.memory_space<vmem_shared>>
        %dma_wait3A_141 = arith.constant 0 : i32
        %dma_wait3A_142 = tpu.memref_slice %arg15[%mul3A_136, %dma_wait3A_141] : memref<10000x128xf32, #tpu.memory_space<vmem_shared>> -> memref<80x128xf32, #tpu.memory_space<vmem_shared>>
        tpu.wait_dma2 semaphore(%run_scoped3A : memref<!tpu.dma_semaphore, #tpu.memory_space<semaphore_mem>>) src(%arg11 : memref<80x128xf32, #tpu.memory_space<vmem>>) dst(%dma_wait3A_142 : memref<80x128xf32, #tpu.memory_space<vmem_shared>>)
        tpu.yield
      }) : () -> ()
    } else {
    }
    %add3A_35 = arith.constant 64 : i32
    %add3A_36 = arith.addi %arg1, %add3A_35 : i32
    %lt3A_37 = arith.constant 125 : i32
    %lt3A_38 = arith.cmpi slt, %add3A_36, %lt3A_37 : i32
    %convert_element_type3A_39 = arith.extui %lt3A_38 : i1 to i32
    %cond3A_40 = arith.constant 0 : i32
    %cond3A_41 = arith.cmpi ne, %convert_element_type3A_39, %cond3A_40 : i32
    scf.if %cond3A_41 {
      %mul3A_135 = arith.constant 80 : i32
      %mul3A_136 = arith.muli %add3A_36, %mul3A_135 : i32
      "tpu.region"() ({
        %run_scoped3A = tpu.sem_alloc : memref<!tpu.dma_semaphore, #tpu.memory_space<semaphore_mem>>
        %dma_start3A = arith.constant 0 : i32
        %dma_start3A_137 = tpu.memref_slice %arg15[%mul3A_136, %dma_start3A] : memref<10000x128xf32, #tpu.memory_space<vmem_shared>> -> memref<80x128xf32, #tpu.memory_space<vmem_shared>>
        %dma_start3A_138 = arith.constant 0 : i32
        %dma_start3A_139 = tpu.memref_slice %arg15[%mul3A_136, %dma_start3A_138] : memref<10000x128xf32, #tpu.memory_space<vmem_shared>> -> memref<80x128xf32, #tpu.memory_space<vmem_shared>>
        tpu.enqueue_dma source(%arg11 : memref<80x128xf32, #tpu.memory_space<vmem>>) target(%dma_start3A_139 : memref<80x128xf32, #tpu.memory_space<vmem_shared>>) target_semaphore(%run_scoped3A : memref<!tpu.dma_semaphore, #tpu.memory_space<semaphore_mem>>)
        %dma_wait3A = arith.constant 0 : i32
        %dma_wait3A_140 = tpu.memref_slice %arg15[%mul3A_136, %dma_wait3A] : memref<10000x128xf32, #tpu.memory_space<vmem_shared>> -> memref<80x128xf32, #tpu.memory_space<vmem_shared>>
        %dma_wait3A_141 = arith.constant 0 : i32
        %dma_wait3A_142 = tpu.memref_slice %arg15[%mul3A_136, %dma_wait3A_141] : memref<10000x128xf32, #tpu.memory_space<vmem_shared>> -> memref<80x128xf32, #tpu.memory_space<vmem_shared>>
        tpu.wait_dma2 semaphore(%run_scoped3A : memref<!tpu.dma_semaphore, #tpu.memory_space<semaphore_mem>>) src(%arg11 : memref<80x128xf32, #tpu.memory_space<vmem>>) dst(%dma_wait3A_142 : memref<80x128xf32, #tpu.memory_space<vmem_shared>>)
        tpu.yield
      }) : () -> ()
    } else {
    }
    %add3A_42 = arith.constant 80 : i32
    %add3A_43 = arith.addi %arg1, %add3A_42 : i32
    %lt3A_44 = arith.constant 125 : i32
    %lt3A_45 = arith.cmpi slt, %add3A_43, %lt3A_44 : i32
    %convert_element_type3A_46 = arith.extui %lt3A_45 : i1 to i32
    %cond3A_47 = arith.constant 0 : i32
    %cond3A_48 = arith.cmpi ne, %convert_element_type3A_46, %cond3A_47 : i32
    scf.if %cond3A_48 {
      %mul3A_135 = arith.constant 80 : i32
      %mul3A_136 = arith.muli %add3A_43, %mul3A_135 : i32
      "tpu.region"() ({
        %run_scoped3A = tpu.sem_alloc : memref<!tpu.dma_semaphore, #tpu.memory_space<semaphore_mem>>
        %dma_start3A = arith.constant 0 : i32
        %dma_start3A_137 = tpu.memref_slice %arg15[%mul3A_136, %dma_start3A] : memref<10000x128xf32, #tpu.memory_space<vmem_shared>> -> memref<80x128xf32, #tpu.memory_space<vmem_shared>>
        %dma_start3A_138 = arith.constant 0 : i32
        %dma_start3A_139 = tpu.memref_slice %arg15[%mul3A_136, %dma_start3A_138] : memref<10000x128xf32, #tpu.memory_space<vmem_shared>> -> memref<80x128xf32, #tpu.memory_space<vmem_shared>>
        tpu.enqueue_dma source(%arg11 : memref<80x128xf32, #tpu.memory_space<vmem>>) target(%dma_start3A_139 : memref<80x128xf32, #tpu.memory_space<vmem_shared>>) target_semaphore(%run_scoped3A : memref<!tpu.dma_semaphore, #tpu.memory_space<semaphore_mem>>)
        %dma_wait3A = arith.constant 0 : i32
        %dma_wait3A_140 = tpu.memref_slice %arg15[%mul3A_136, %dma_wait3A] : memref<10000x128xf32, #tpu.memory_space<vmem_shared>> -> memref<80x128xf32, #tpu.memory_space<vmem_shared>>
        %dma_wait3A_141 = arith.constant 0 : i32
        %dma_wait3A_142 = tpu.memref_slice %arg15[%mul3A_136, %dma_wait3A_141] : memref<10000x128xf32, #tpu.memory_space<vmem_shared>> -> memref<80x128xf32, #tpu.memory_space<vmem_shared>>
        tpu.wait_dma2 semaphore(%run_scoped3A : memref<!tpu.dma_semaphore, #tpu.memory_space<semaphore_mem>>) src(%arg11 : memref<80x128xf32, #tpu.memory_space<vmem>>) dst(%dma_wait3A_142 : memref<80x128xf32, #tpu.memory_space<vmem_shared>>)
        tpu.yield
      }) : () -> ()
    } else {
    }
    %add3A_49 = arith.constant 96 : i32
    %add3A_50 = arith.addi %arg1, %add3A_49 : i32
    %lt3A_51 = arith.constant 125 : i32
    %lt3A_52 = arith.cmpi slt, %add3A_50, %lt3A_51 : i32
    %convert_element_type3A_53 = arith.extui %lt3A_52 : i1 to i32
    %cond3A_54 = arith.constant 0 : i32
    %cond3A_55 = arith.cmpi ne, %convert_element_type3A_53, %cond3A_54 : i32
    scf.if %cond3A_55 {
      %mul3A_135 = arith.constant 80 : i32
      %mul3A_136 = arith.muli %add3A_50, %mul3A_135 : i32
      "tpu.region"() ({
        %run_scoped3A = tpu.sem_alloc : memref<!tpu.dma_semaphore, #tpu.memory_space<semaphore_mem>>
        %dma_start3A = arith.constant 0 : i32
        %dma_start3A_137 = tpu.memref_slice %arg15[%mul3A_136, %dma_start3A] : memref<10000x128xf32, #tpu.memory_space<vmem_shared>> -> memref<80x128xf32, #tpu.memory_space<vmem_shared>>
        %dma_start3A_138 = arith.constant 0 : i32
        %dma_start3A_139 = tpu.memref_slice %arg15[%mul3A_136, %dma_start3A_138] : memref<10000x128xf32, #tpu.memory_space<vmem_shared>> -> memref<80x128xf32, #tpu.memory_space<vmem_shared>>
        tpu.enqueue_dma source(%arg11 : memref<80x128xf32, #tpu.memory_space<vmem>>) target(%dma_start3A_139 : memref<80x128xf32, #tpu.memory_space<vmem_shared>>) target_semaphore(%run_scoped3A : memref<!tpu.dma_semaphore, #tpu.memory_space<semaphore_mem>>)
        %dma_wait3A = arith.constant 0 : i32
        %dma_wait3A_140 = tpu.memref_slice %arg15[%mul3A_136, %dma_wait3A] : memref<10000x128xf32, #tpu.memory_space<vmem_shared>> -> memref<80x128xf32, #tpu.memory_space<vmem_shared>>
        %dma_wait3A_141 = arith.constant 0 : i32
        %dma_wait3A_142 = tpu.memref_slice %arg15[%mul3A_136, %dma_wait3A_141] : memref<10000x128xf32, #tpu.memory_space<vmem_shared>> -> memref<80x128xf32, #tpu.memory_space<vmem_shared>>
        tpu.wait_dma2 semaphore(%run_scoped3A : memref<!tpu.dma_semaphore, #tpu.memory_space<semaphore_mem>>) src(%arg11 : memref<80x128xf32, #tpu.memory_space<vmem>>) dst(%dma_wait3A_142 : memref<80x128xf32, #tpu.memory_space<vmem_shared>>)
        tpu.yield
      }) : () -> ()
    } else {
    }
    %add3A_56 = arith.constant 112 : i32
    %add3A_57 = arith.addi %arg1, %add3A_56 : i32
    %lt3A_58 = arith.constant 125 : i32
    %lt3A_59 = arith.cmpi slt, %add3A_57, %lt3A_58 : i32
    %convert_element_type3A_60 = arith.extui %lt3A_59 : i1 to i32
    %cond3A_61 = arith.constant 0 : i32
    %cond3A_62 = arith.cmpi ne, %convert_element_type3A_60, %cond3A_61 : i32
    scf.if %cond3A_62 {
      %mul3A_135 = arith.constant 80 : i32
      %mul3A_136 = arith.muli %add3A_57, %mul3A_135 : i32
      "tpu.region"() ({
        %run_scoped3A = tpu.sem_alloc : memref<!tpu.dma_semaphore, #tpu.memory_space<semaphore_mem>>
        %dma_start3A = arith.constant 0 : i32
        %dma_start3A_137 = tpu.memref_slice %arg15[%mul3A_136, %dma_start3A] : memref<10000x128xf32, #tpu.memory_space<vmem_shared>> -> memref<80x128xf32, #tpu.memory_space<vmem_shared>>
        %dma_start3A_138 = arith.constant 0 : i32
        %dma_start3A_139 = tpu.memref_slice %arg15[%mul3A_136, %dma_start3A_138] : memref<10000x128xf32, #tpu.memory_space<vmem_shared>> -> memref<80x128xf32, #tpu.memory_space<vmem_shared>>
        tpu.enqueue_dma source(%arg11 : memref<80x128xf32, #tpu.memory_space<vmem>>) target(%dma_start3A_139 : memref<80x128xf32, #tpu.memory_space<vmem_shared>>) target_semaphore(%run_scoped3A : memref<!tpu.dma_semaphore, #tpu.memory_space<semaphore_mem>>)
        %dma_wait3A = arith.constant 0 : i32
        %dma_wait3A_140 = tpu.memref_slice %arg15[%mul3A_136, %dma_wait3A] : memref<10000x128xf32, #tpu.memory_space<vmem_shared>> -> memref<80x128xf32, #tpu.memory_space<vmem_shared>>
        %dma_wait3A_141 = arith.constant 0 : i32
        %dma_wait3A_142 = tpu.memref_slice %arg15[%mul3A_136, %dma_wait3A_141] : memref<10000x128xf32, #tpu.memory_space<vmem_shared>> -> memref<80x128xf32, #tpu.memory_space<vmem_shared>>
        tpu.wait_dma2 semaphore(%run_scoped3A : memref<!tpu.dma_semaphore, #tpu.memory_space<semaphore_mem>>) src(%arg11 : memref<80x128xf32, #tpu.memory_space<vmem>>) dst(%dma_wait3A_142 : memref<80x128xf32, #tpu.memory_space<vmem_shared>>)
        tpu.yield
      }) : () -> ()
    } else {
    }
    %lt3A_63 = arith.constant 10 : i32
    %lt3A_64 = arith.cmpi slt, %arg1, %lt3A_63 : i32
    %convert_element_type3A_65 = arith.extui %lt3A_64 : i1 to i32
    %cond3A_66 = arith.constant 0 : i32
    %cond3A_67 = arith.cmpi ne, %convert_element_type3A_65, %cond3A_66 : i32
    scf.if %cond3A_67 {
      %mul3A_135 = arith.constant 1000 : i32
      %mul3A_136 = arith.muli %arg1, %mul3A_135 : i32
      "tpu.region"() ({
        %run_scoped3A = tpu.sem_alloc : memref<!tpu.dma_semaphore, #tpu.memory_space<semaphore_mem>>
        %dma_start3A = arith.constant 0 : i32
        %dma_start3A_137 = tpu.memref_slice %arg14[%dma_start3A] : memref<1024xf32, #tpu.memory_space<vmem>> -> memref<1000xf32, #tpu.memory_space<vmem>>
        %dma_start3A_138 = tpu.memref_slice %arg16[%mul3A_136] : memref<10000xf32, #tpu.memory_space<vmem_shared>> -> memref<1000xf32, #tpu.memory_space<vmem_shared>>
        %dma_start3A_139 = tpu.memref_slice %arg16[%mul3A_136] : memref<10000xf32, #tpu.memory_space<vmem_shared>> -> memref<1000xf32, #tpu.memory_space<vmem_shared>>
        %dma_start3A_140 = arith.constant 0 : i32
        %dma_start3A_141 = tpu.memref_slice %arg14[%dma_start3A_140] : memref<1024xf32, #tpu.memory_space<vmem>> -> memref<1000xf32, #tpu.memory_space<vmem>>
        tpu.enqueue_dma source(%dma_start3A_141 : memref<1000xf32, #tpu.memory_space<vmem>>) target(%dma_start3A_139 : memref<1000xf32, #tpu.memory_space<vmem_shared>>) target_semaphore(%run_scoped3A : memref<!tpu.dma_semaphore, #tpu.memory_space<semaphore_mem>>)
        %dma_wait3A = arith.constant 0 : i32
        %dma_wait3A_142 = tpu.memref_slice %arg14[%dma_wait3A] : memref<1024xf32, #tpu.memory_space<vmem>> -> memref<1000xf32, #tpu.memory_space<vmem>>
        %dma_wait3A_143 = tpu.memref_slice %arg16[%mul3A_136] : memref<10000xf32, #tpu.memory_space<vmem_shared>> -> memref<1000xf32, #tpu.memory_space<vmem_shared>>
        %dma_wait3A_144 = tpu.memref_slice %arg16[%mul3A_136] : memref<10000xf32, #tpu.memory_space<vmem_shared>> -> memref<1000xf32, #tpu.memory_space<vmem_shared>>
        %dma_wait3A_145 = arith.constant 0 : i32
        %dma_wait3A_146 = tpu.memref_slice %arg14[%dma_wait3A_145] : memref<1024xf32, #tpu.memory_space<vmem>> -> memref<1000xf32, #tpu.memory_space<vmem>>
        tpu.wait_dma2 semaphore(%run_scoped3A : memref<!tpu.dma_semaphore, #tpu.memory_space<semaphore_mem>>) src(%dma_wait3A_146 : memref<1000xf32, #tpu.memory_space<vmem>>) dst(%dma_wait3A_144 : memref<1000xf32, #tpu.memory_space<vmem_shared>>)
        tpu.yield
      }) : () -> ()
    } else {
    }
    "tpu.region"() ({
      %run_scoped3A = tpu.sem_alloc : memref<!tpu.dma_semaphore, #tpu.memory_space<semaphore_mem>>
      tpu.enqueue_dma source(%arg4 : memref<10000xf32, #tpu.memory_space<hbm>>) target(%arg10 : memref<10000xf32, #tpu.memory_space<vmem>>) target_semaphore(%run_scoped3A : memref<!tpu.dma_semaphore, #tpu.memory_space<semaphore_mem>>)
      tpu.wait_dma2 semaphore(%run_scoped3A : memref<!tpu.dma_semaphore, #tpu.memory_space<semaphore_mem>>) src(%arg4 : memref<10000xf32, #tpu.memory_space<hbm>>) dst(%arg10 : memref<10000xf32, #tpu.memory_space<vmem>>)
      tpu.yield
    }) : () -> ()
    %barrier3A = arith.constant 0 : index
    tpu.barrier barrier_id(%barrier3A)
    %scan3A_68 = arith.constant 0 : i32
    %scan3A_69 = arith.constant 125 : i32
    %scan3A_70 = arith.addi %scan3A_68, %scan3A_69 : i32
    %scan3A_71 = arith.constant 1 : i32
    scf.for %scan3A_135 = %scan3A_68 to %scan3A_70 step %scan3A_71  : i32 {
      %mul3A_136 = arith.constant 1 : i32
      %mul3A_137 = arith.muli %scan3A_135, %mul3A_136 : i32
      %add3A_138 = arith.constant 0 : i32
      %add3A_139 = arith.addi %add3A_138, %mul3A_137 : i32
      "tpu.region"() ({
        %run_scoped3A = tpu.sem_alloc : memref<!tpu.dma_semaphore, #tpu.memory_space<semaphore_mem>>
        %dma_start3A_361 = arith.constant 0 : i32
        %dma_start3A_362 = arith.constant 0 : i32
        %dma_start3A_363 = tpu.memref_slice %arg2[%add3A, %add3A_139, %dma_start3A_361, %dma_start3A_362] : memref<32x125x2x80xi32, #tpu.memory_space<hbm>> -> memref<1x1x2x80xi32, #tpu.memory_space<hbm>>
        %dma_start3A_364 = tpu.memref_squeeze %dma_start3A_363 : memref<1x1x2x80xi32, #tpu.memory_space<hbm>> -> memref<2x80xi32, #tpu.memory_space<hbm>>
        %dma_start3A_365 = arith.constant 0 : i32
        %dma_start3A_366 = arith.constant 0 : i32
        %dma_start3A_367 = tpu.memref_slice %arg2[%add3A, %add3A_139, %dma_start3A_365, %dma_start3A_366] : memref<32x125x2x80xi32, #tpu.memory_space<hbm>> -> memref<1x1x2x80xi32, #tpu.memory_space<hbm>>
        %dma_start3A_368 = tpu.memref_squeeze %dma_start3A_367 : memref<1x1x2x80xi32, #tpu.memory_space<hbm>> -> memref<2x80xi32, #tpu.memory_space<hbm>>
        tpu.enqueue_dma source(%dma_start3A_368 : memref<2x80xi32, #tpu.memory_space<hbm>>) target(%arg8 : memref<2x80xi32, #tpu.memory_space<vmem>>) target_semaphore(%run_scoped3A : memref<!tpu.dma_semaphore, #tpu.memory_space<semaphore_mem>>)
        %dma_wait3A_369 = arith.constant 0 : i32
        %dma_wait3A_370 = arith.constant 0 : i32
        %dma_wait3A_371 = tpu.memref_slice %arg2[%add3A, %add3A_139, %dma_wait3A_369, %dma_wait3A_370] : memref<32x125x2x80xi32, #tpu.memory_space<hbm>> -> memref<1x1x2x80xi32, #tpu.memory_space<hbm>>
        %dma_wait3A_372 = tpu.memref_squeeze %dma_wait3A_371 : memref<1x1x2x80xi32, #tpu.memory_space<hbm>> -> memref<2x80xi32, #tpu.memory_space<hbm>>
        %dma_wait3A_373 = arith.constant 0 : i32
        %dma_wait3A_374 = arith.constant 0 : i32
        %dma_wait3A_375 = tpu.memref_slice %arg2[%add3A, %add3A_139, %dma_wait3A_373, %dma_wait3A_374] : memref<32x125x2x80xi32, #tpu.memory_space<hbm>> -> memref<1x1x2x80xi32, #tpu.memory_space<hbm>>
        %dma_wait3A_376 = tpu.memref_squeeze %dma_wait3A_375 : memref<1x1x2x80xi32, #tpu.memory_space<hbm>> -> memref<2x80xi32, #tpu.memory_space<hbm>>
        tpu.wait_dma2 semaphore(%run_scoped3A : memref<!tpu.dma_semaphore, #tpu.memory_space<semaphore_mem>>) src(%dma_wait3A_376 : memref<2x80xi32, #tpu.memory_space<hbm>>) dst(%arg8 : memref<2x80xi32, #tpu.memory_space<vmem>>)
        tpu.yield
      }) : () -> ()
      %get3A = arith.constant 0 : i32
      %get3A_140 = arith.index_cast %get3A : i32 to index
      %get3A_141 = arith.constant 0 : index
      %get3A_142 = tpu.vector_load %arg8[%get3A_140, %get3A_141] {strides = array<i32>} : memref<2x80xi32, #tpu.memory_space<vmem>>, vector<16xi32>,
      %mul3A_143 = arith.constant 10000 : i32
      %mul3A_144 = vector.broadcast %mul3A_143 : i32 to vector<16xi32>
      %mul3A_145 = arith.muli %get3A_142, %mul3A_144 : vector<16xi32>
      %get3A_146 = arith.constant 1 : i32
      %get3A_147 = arith.index_cast %get3A_146 : i32 to index
      %get3A_148 = arith.constant 0 : index
      %get3A_149 = tpu.vector_load %arg8[%get3A_147, %get3A_148] {strides = array<i32>} : memref<2x80xi32, #tpu.memory_space<vmem>>, vector<16xi32>,
      %add3A_150 = arith.addi %mul3A_145, %get3A_149 : vector<16xi32>
      %swap3A = arith.constant 0 : index
      %swap3A_151 = tpu.vector_load %arg9[%swap3A] {strides = array<i32>} : memref<80xi32, #tpu.memory_space<vmem>>, vector<16xi32>,
      tpu.vector_store %arg9[%swap3A], %add3A_150 {strides = array<i32>} : memref<80xi32, #tpu.memory_space<vmem>>, vector<16xi32>,
      %get3A_152 = arith.constant 0 : i32
      %get3A_153 = arith.index_cast %get3A_152 : i32 to index
      %get3A_154 = arith.constant 16 : index
      %get3A_155 = tpu.vector_load %arg8[%get3A_153, %get3A_154] {strides = array<i32>} : memref<2x80xi32, #tpu.memory_space<vmem>>, vector<16xi32>,
      %mul3A_156 = arith.constant 10000 : i32
      %mul3A_157 = vector.broadcast %mul3A_156 : i32 to vector<16xi32>
      %mul3A_158 = arith.muli %get3A_155, %mul3A_157 : vector<16xi32>
      %get3A_159 = arith.constant 1 : i32
      %get3A_160 = arith.index_cast %get3A_159 : i32 to index
      %get3A_161 = arith.constant 16 : index
      %get3A_162 = tpu.vector_load %arg8[%get3A_160, %get3A_161] {strides = array<i32>} : memref<2x80xi32, #tpu.memory_space<vmem>>, vector<16xi32>,
      %add3A_163 = arith.addi %mul3A_158, %get3A_162 : vector<16xi32>
      %swap3A_164 = arith.constant 16 : index
      %swap3A_165 = tpu.vector_load %arg9[%swap3A_164] {strides = array<i32>} : memref<80xi32, #tpu.memory_space<vmem>>, vector<16xi32>,
      tpu.vector_store %arg9[%swap3A_164], %add3A_163 {strides = array<i32>} : memref<80xi32, #tpu.memory_space<vmem>>, vector<16xi32>,
      %get3A_166 = arith.constant 0 : i32
      %get3A_167 = arith.index_cast %get3A_166 : i32 to index
      %get3A_168 = arith.constant 32 : index
      %get3A_169 = tpu.vector_load %arg8[%get3A_167, %get3A_168] {strides = array<i32>} : memref<2x80xi32, #tpu.memory_space<vmem>>, vector<16xi32>,
      %mul3A_170 = arith.constant 10000 : i32
      %mul3A_171 = vector.broadcast %mul3A_170 : i32 to vector<16xi32>
      %mul3A_172 = arith.muli %get3A_169, %mul3A_171 : vector<16xi32>
      %get3A_173 = arith.constant 1 : i32
      %get3A_174 = arith.index_cast %get3A_173 : i32 to index
      %get3A_175 = arith.constant 32 : index
      %get3A_176 = tpu.vector_load %arg8[%get3A_174, %get3A_175] {strides = array<i32>} : memref<2x80xi32, #tpu.memory_space<vmem>>, vector<16xi32>,
      %add3A_177 = arith.addi %mul3A_172, %get3A_176 : vector<16xi32>
      %swap3A_178 = arith.constant 32 : index
      %swap3A_179 = tpu.vector_load %arg9[%swap3A_178] {strides = array<i32>} : memref<80xi32, #tpu.memory_space<vmem>>, vector<16xi32>,
      tpu.vector_store %arg9[%swap3A_178], %add3A_177 {strides = array<i32>} : memref<80xi32, #tpu.memory_space<vmem>>, vector<16xi32>,
      %get3A_180 = arith.constant 0 : i32
      %get3A_181 = arith.index_cast %get3A_180 : i32 to index
      %get3A_182 = arith.constant 48 : index
      %get3A_183 = tpu.vector_load %arg8[%get3A_181, %get3A_182] {strides = array<i32>} : memref<2x80xi32, #tpu.memory_space<vmem>>, vector<16xi32>,
      %mul3A_184 = arith.constant 10000 : i32
      %mul3A_185 = vector.broadcast %mul3A_184 : i32 to vector<16xi32>
      %mul3A_186 = arith.muli %get3A_183, %mul3A_185 : vector<16xi32>
      %get3A_187 = arith.constant 1 : i32
      %get3A_188 = arith.index_cast %get3A_187 : i32 to index
      %get3A_189 = arith.constant 48 : index
      %get3A_190 = tpu.vector_load %arg8[%get3A_188, %get3A_189] {strides = array<i32>} : memref<2x80xi32, #tpu.memory_space<vmem>>, vector<16xi32>,
      %add3A_191 = arith.addi %mul3A_186, %get3A_190 : vector<16xi32>
      %swap3A_192 = arith.constant 48 : index
      %swap3A_193 = tpu.vector_load %arg9[%swap3A_192] {strides = array<i32>} : memref<80xi32, #tpu.memory_space<vmem>>, vector<16xi32>,
      tpu.vector_store %arg9[%swap3A_192], %add3A_191 {strides = array<i32>} : memref<80xi32, #tpu.memory_space<vmem>>, vector<16xi32>,
      %get3A_194 = arith.constant 0 : i32
      %get3A_195 = arith.index_cast %get3A_194 : i32 to index
      %get3A_196 = arith.constant 64 : index
      %get3A_197 = tpu.vector_load %arg8[%get3A_195, %get3A_196] {strides = array<i32>} : memref<2x80xi32, #tpu.memory_space<vmem>>, vector<16xi32>,
      %mul3A_198 = arith.constant 10000 : i32
      %mul3A_199 = vector.broadcast %mul3A_198 : i32 to vector<16xi32>
      %mul3A_200 = arith.muli %get3A_197, %mul3A_199 : vector<16xi32>
      %get3A_201 = arith.constant 1 : i32
      %get3A_202 = arith.index_cast %get3A_201 : i32 to index
      %get3A_203 = arith.constant 64 : index
      %get3A_204 = tpu.vector_load %arg8[%get3A_202, %get3A_203] {strides = array<i32>} : memref<2x80xi32, #tpu.memory_space<vmem>>, vector<16xi32>,
      %add3A_205 = arith.addi %mul3A_200, %get3A_204 : vector<16xi32>
      %swap3A_206 = arith.constant 64 : index
      %swap3A_207 = tpu.vector_load %arg9[%swap3A_206] {strides = array<i32>} : memref<80xi32, #tpu.memory_space<vmem>>, vector<16xi32>,
      tpu.vector_store %arg9[%swap3A_206], %add3A_205 {strides = array<i32>} : memref<80xi32, #tpu.memory_space<vmem>>, vector<16xi32>,
      %dma_start3A = arith.constant 0 : i32
      %dma_start3A_208 = tpu.memref_slice %arg3[%dma_start3A] : memref<100000000xi32, #tpu.memory_space<hbm>> -> memref<100000000xi32, #tpu.memory_space<hbm>>
      tpu.enqueue_indirect_dma source(%dma_start3A_208 : memref<100000000xi32, #tpu.memory_space<hbm>>) target(%arg13 : memref<80xi32, #tpu.memory_space<vmem>>) offsets(%arg9 : memref<80xi32, #tpu.memory_space<vmem>>) semaphore(%arg17 : memref<!tpu.dma_semaphore, #tpu.memory_space<semaphore_mem>>)
      %dma_start3A_209 = arith.constant 1 : i32
      %dma_start3A_210 = arith.constant 0 : i32
      %dma_start3A_211 = tpu.memref_slice %arg8[%dma_start3A_209, %dma_start3A_210] : memref<2x80xi32, #tpu.memory_space<vmem>> -> memref<1x80xi32, #tpu.memory_space<vmem>>
      %dma_start3A_212 = tpu.memref_squeeze %dma_start3A_211 : memref<1x80xi32, #tpu.memory_space<vmem>> -> memref<80xi32, #tpu.memory_space<vmem>>
      %dma_start3A_213 = arith.constant 0 : i32
      %dma_start3A_214 = arith.constant 0 : i32
      %dma_start3A_215 = tpu.memref_slice %arg5[%dma_start3A_213, %dma_start3A_214] : memref<10000x128xf32, #tpu.memory_space<hbm>> -> memref<10000x128xf32, #tpu.memory_space<hbm>>
      tpu.enqueue_indirect_dma source(%dma_start3A_215 : memref<10000x128xf32, #tpu.memory_space<hbm>>) target(%arg11 : memref<80x128xf32, #tpu.memory_space<vmem>>) offsets(%dma_start3A_212 : memref<80xi32, #tpu.memory_space<vmem>>) semaphore(%arg18 : memref<!tpu.dma_semaphore, #tpu.memory_space<semaphore_mem>>)
      %dma_wait3A = arith.constant 0 : i32
      %dma_wait3A_216 = tpu.memref_slice %arg3[%dma_wait3A] : memref<100000000xi32, #tpu.memory_space<hbm>> -> memref<100000000xi32, #tpu.memory_space<hbm>>
      tpu.wait_indirect_dma semaphore(%arg17 : memref<!tpu.dma_semaphore, #tpu.memory_space<semaphore_mem>>) src(%dma_wait3A_216 : memref<100000000xi32, #tpu.memory_space<hbm>>) dst(%arg13 : memref<80xi32, #tpu.memory_space<vmem>>)
      %dma_wait3A_217 = arith.constant 1 : i32
      %dma_wait3A_218 = arith.constant 0 : i32
      %dma_wait3A_219 = tpu.memref_slice %arg8[%dma_wait3A_217, %dma_wait3A_218] : memref<2x80xi32, #tpu.memory_space<vmem>> -> memref<1x80xi32, #tpu.memory_space<vmem>>
      %dma_wait3A_220 = tpu.memref_squeeze %dma_wait3A_219 : memref<1x80xi32, #tpu.memory_space<vmem>> -> memref<80xi32, #tpu.memory_space<vmem>>
      %dma_wait3A_221 = arith.constant 0 : i32
      %dma_wait3A_222 = arith.constant 0 : i32
      %dma_wait3A_223 = tpu.memref_slice %arg5[%dma_wait3A_221, %dma_wait3A_222] : memref<10000x128xf32, #tpu.memory_space<hbm>> -> memref<10000x128xf32, #tpu.memory_space<hbm>>
      tpu.wait_indirect_dma semaphore(%arg18 : memref<!tpu.dma_semaphore, #tpu.memory_space<semaphore_mem>>) src(%dma_wait3A_223 : memref<10000x128xf32, #tpu.memory_space<hbm>>) dst(%arg11 : memref<80x128xf32, #tpu.memory_space<vmem>>)
      %get3A_224 = arith.constant 1 : i32
      %get3A_225 = arith.index_cast %get3A_224 : i32 to index
      %get3A_226 = arith.constant 0 : index
      %get3A_227 = tpu.vector_load %arg8[%get3A_225, %get3A_226] {strides = array<i32>} : memref<2x80xi32, #tpu.memory_space<vmem>>, vector<16xi32>,
      %gather3A = tpu.vector_load_idx %arg10[%get3A_227] : memref<10000xf32, #tpu.memory_space<vmem>>[vector<16xi32>], vector<16xf32>,
      %mul3A_228 = arith.constant 10000 : i32
      %mul3A_229 = arith.muli %add3A, %mul3A_228 : i32
      %mul3A_230 = arith.constant 80 : i32
      %mul3A_231 = arith.muli %add3A_139, %mul3A_230 : i32
      %add3A_232 = arith.addi %mul3A_229, %mul3A_231 : i32
      %add3A_233 = arith.constant 0 : i32
      %add3A_234 = arith.addi %add3A_232, %add3A_233 : i32
      %add3A_235 = vector.broadcast %add3A_234 : i32 to vector<16xi32>
      %add3A_236 = arith.addi %iota3A, %add3A_235 : vector<16xi32>
      %get3A_237 = arith.constant 0 : index
      %get3A_238 = tpu.vector_load %arg13[%get3A_237] {strides = array<i32>} : memref<80xi32, #tpu.memory_space<vmem>>, vector<16xi32>,
      %eq3A = arith.cmpi eq, %get3A_238, %add3A_236 : vector<16xi32>
      %broadcast_in_dim3A = arith.constant 0.000000e+00 : f32
      %broadcast_in_dim3A_239 = vector.broadcast %broadcast_in_dim3A : f32 to vector<16xf32>
      %select_n3A = arith.select %eq3A, %gather3A, %broadcast_in_dim3A_239 : vector<16xi1>, vector<16xf32>
      %swap3A_240 = arith.constant 0 : index
      %swap3A_241 = tpu.vector_load %arg12[%swap3A_240] {strides = array<i32>} : memref<80xf32, #tpu.memory_space<vmem>>, vector<16xf32>,
      tpu.vector_store %arg12[%swap3A_240], %select_n3A {strides = array<i32>} : memref<80xf32, #tpu.memory_space<vmem>>, vector<16xf32>,
      %get3A_242 = arith.constant 1 : i32
      %get3A_243 = arith.index_cast %get3A_242 : i32 to index
      %get3A_244 = arith.constant 16 : index
      %get3A_245 = tpu.vector_load %arg8[%get3A_243, %get3A_244] {strides = array<i32>} : memref<2x80xi32, #tpu.memory_space<vmem>>, vector<16xi32>,
      %gather3A_246 = tpu.vector_load_idx %arg10[%get3A_245] : memref<10000xf32, #tpu.memory_space<vmem>>[vector<16xi32>], vector<16xf32>,
      %mul3A_247 = arith.constant 10000 : i32
      %mul3A_248 = arith.muli %add3A, %mul3A_247 : i32
      %mul3A_249 = arith.constant 80 : i32
      %mul3A_250 = arith.muli %add3A_139, %mul3A_249 : i32
      %add3A_251 = arith.addi %mul3A_248, %mul3A_250 : i32
      %add3A_252 = arith.constant 16 : i32
      %add3A_253 = arith.addi %add3A_251, %add3A_252 : i32
      %add3A_254 = vector.broadcast %add3A_253 : i32 to vector<16xi32>
      %add3A_255 = arith.addi %iota3A, %add3A_254 : vector<16xi32>
      %get3A_256 = arith.constant 16 : index
      %get3A_257 = tpu.vector_load %arg13[%get3A_256] {strides = array<i32>} : memref<80xi32, #tpu.memory_space<vmem>>, vector<16xi32>,
      %eq3A_258 = arith.cmpi eq, %get3A_257, %add3A_255 : vector<16xi32>
      %broadcast_in_dim3A_259 = arith.constant 0.000000e+00 : f32
      %broadcast_in_dim3A_260 = vector.broadcast %broadcast_in_dim3A_259 : f32 to vector<16xf32>
      %select_n3A_261 = arith.select %eq3A_258, %gather3A_246, %broadcast_in_dim3A_260 : vector<16xi1>, vector<16xf32>
      %swap3A_262 = arith.constant 16 : index
      %swap3A_263 = tpu.vector_load %arg12[%swap3A_262] {strides = array<i32>} : memref<80xf32, #tpu.memory_space<vmem>>, vector<16xf32>,
      tpu.vector_store %arg12[%swap3A_262], %select_n3A_261 {strides = array<i32>} : memref<80xf32, #tpu.memory_space<vmem>>, vector<16xf32>,
      %get3A_264 = arith.constant 1 : i32
      %get3A_265 = arith.index_cast %get3A_264 : i32 to index
      %get3A_266 = arith.constant 32 : index
      %get3A_267 = tpu.vector_load %arg8[%get3A_265, %get3A_266] {strides = array<i32>} : memref<2x80xi32, #tpu.memory_space<vmem>>, vector<16xi32>,
      %gather3A_268 = tpu.vector_load_idx %arg10[%get3A_267] : memref<10000xf32, #tpu.memory_space<vmem>>[vector<16xi32>], vector<16xf32>,
      %mul3A_269 = arith.constant 10000 : i32
      %mul3A_270 = arith.muli %add3A, %mul3A_269 : i32
      %mul3A_271 = arith.constant 80 : i32
      %mul3A_272 = arith.muli %add3A_139, %mul3A_271 : i32
      %add3A_273 = arith.addi %mul3A_270, %mul3A_272 : i32
      %add3A_274 = arith.constant 32 : i32
      %add3A_275 = arith.addi %add3A_273, %add3A_274 : i32
      %add3A_276 = vector.broadcast %add3A_275 : i32 to vector<16xi32>
      %add3A_277 = arith.addi %iota3A, %add3A_276 : vector<16xi32>
      %get3A_278 = arith.constant 32 : index
      %get3A_279 = tpu.vector_load %arg13[%get3A_278] {strides = array<i32>} : memref<80xi32, #tpu.memory_space<vmem>>, vector<16xi32>,
      %eq3A_280 = arith.cmpi eq, %get3A_279, %add3A_277 : vector<16xi32>
      %broadcast_in_dim3A_281 = arith.constant 0.000000e+00 : f32
      %broadcast_in_dim3A_282 = vector.broadcast %broadcast_in_dim3A_281 : f32 to vector<16xf32>
      %select_n3A_283 = arith.select %eq3A_280, %gather3A_268, %broadcast_in_dim3A_282 : vector<16xi1>, vector<16xf32>
      %swap3A_284 = arith.constant 32 : index
      %swap3A_285 = tpu.vector_load %arg12[%swap3A_284] {strides = array<i32>} : memref<80xf32, #tpu.memory_space<vmem>>, vector<16xf32>,
      tpu.vector_store %arg12[%swap3A_284], %select_n3A_283 {strides = array<i32>} : memref<80xf32, #tpu.memory_space<vmem>>, vector<16xf32>,
      %get3A_286 = arith.constant 1 : i32
      %get3A_287 = arith.index_cast %get3A_286 : i32 to index
      %get3A_288 = arith.constant 48 : index
      %get3A_289 = tpu.vector_load %arg8[%get3A_287, %get3A_288] {strides = array<i32>} : memref<2x80xi32, #tpu.memory_space<vmem>>, vector<16xi32>,
      %gather3A_290 = tpu.vector_load_idx %arg10[%get3A_289] : memref<10000xf32, #tpu.memory_space<vmem>>[vector<16xi32>], vector<16xf32>,
      %mul3A_291 = arith.constant 10000 : i32
      %mul3A_292 = arith.muli %add3A, %mul3A_291 : i32
      %mul3A_293 = arith.constant 80 : i32
      %mul3A_294 = arith.muli %add3A_139, %mul3A_293 : i32
      %add3A_295 = arith.addi %mul3A_292, %mul3A_294 : i32
      %add3A_296 = arith.constant 48 : i32
      %add3A_297 = arith.addi %add3A_295, %add3A_296 : i32
      %add3A_298 = vector.broadcast %add3A_297 : i32 to vector<16xi32>
      %add3A_299 = arith.addi %iota3A, %add3A_298 : vector<16xi32>
      %get3A_300 = arith.constant 48 : index
      %get3A_301 = tpu.vector_load %arg13[%get3A_300] {strides = array<i32>} : memref<80xi32, #tpu.memory_space<vmem>>, vector<16xi32>,
      %eq3A_302 = arith.cmpi eq, %get3A_301, %add3A_299 : vector<16xi32>
      %broadcast_in_dim3A_303 = arith.constant 0.000000e+00 : f32
      %broadcast_in_dim3A_304 = vector.broadcast %broadcast_in_dim3A_303 : f32 to vector<16xf32>
      %select_n3A_305 = arith.select %eq3A_302, %gather3A_290, %broadcast_in_dim3A_304 : vector<16xi1>, vector<16xf32>
      %swap3A_306 = arith.constant 48 : index
      %swap3A_307 = tpu.vector_load %arg12[%swap3A_306] {strides = array<i32>} : memref<80xf32, #tpu.memory_space<vmem>>, vector<16xf32>,
      tpu.vector_store %arg12[%swap3A_306], %select_n3A_305 {strides = array<i32>} : memref<80xf32, #tpu.memory_space<vmem>>, vector<16xf32>,
      %get3A_308 = arith.constant 1 : i32
      %get3A_309 = arith.index_cast %get3A_308 : i32 to index
      %get3A_310 = arith.constant 64 : index
      %get3A_311 = tpu.vector_load %arg8[%get3A_309, %get3A_310] {strides = array<i32>} : memref<2x80xi32, #tpu.memory_space<vmem>>, vector<16xi32>,
      %gather3A_312 = tpu.vector_load_idx %arg10[%get3A_311] : memref<10000xf32, #tpu.memory_space<vmem>>[vector<16xi32>], vector<16xf32>,
      %mul3A_313 = arith.constant 10000 : i32
      %mul3A_314 = arith.muli %add3A, %mul3A_313 : i32
      %mul3A_315 = arith.constant 80 : i32
      %mul3A_316 = arith.muli %add3A_139, %mul3A_315 : i32
      %add3A_317 = arith.addi %mul3A_314, %mul3A_316 : i32
      %add3A_318 = arith.constant 64 : i32
      %add3A_319 = arith.addi %add3A_317, %add3A_318 : i32
      %add3A_320 = vector.broadcast %add3A_319 : i32 to vector<16xi32>
      %add3A_321 = arith.addi %iota3A, %add3A_320 : vector<16xi32>
      %get3A_322 = arith.constant 64 : index
      %get3A_323 = tpu.vector_load %arg13[%get3A_322] {strides = array<i32>} : memref<80xi32, #tpu.memory_space<vmem>>, vector<16xi32>,
      %eq3A_324 = arith.cmpi eq, %get3A_323, %add3A_321 : vector<16xi32>
      %broadcast_in_dim3A_325 = arith.constant 0.000000e+00 : f32
      %broadcast_in_dim3A_326 = vector.broadcast %broadcast_in_dim3A_325 : f32 to vector<16xf32>
      %select_n3A_327 = arith.select %eq3A_324, %gather3A_312, %broadcast_in_dim3A_326 : vector<16xi1>, vector<16xf32>
      %swap3A_328 = arith.constant 64 : index
      %swap3A_329 = tpu.vector_load %arg12[%swap3A_328] {strides = array<i32>} : memref<80xf32, #tpu.memory_space<vmem>>, vector<16xf32>,
      tpu.vector_store %arg12[%swap3A_328], %select_n3A_327 {strides = array<i32>} : memref<80xf32, #tpu.memory_space<vmem>>, vector<16xf32>,
      %scan3A_330 = arith.constant 0 : i32
      %scan3A_331 = arith.constant 80 : i32
      %scan3A_332 = arith.addi %scan3A_330, %scan3A_331 : i32
      %scan3A_333 = arith.constant 1 : i32
      scf.for %scan3A_361 = %scan3A_330 to %scan3A_332 step %scan3A_333  : i32 {
        %mul3A_362 = arith.constant 1 : i32
        %mul3A_363 = arith.muli %scan3A_361, %mul3A_362 : i32
        %add3A_364 = arith.constant 0 : i32
        %add3A_365 = arith.addi %add3A_364, %mul3A_363 : i32
        %broadcast_in_dim3A_366 = vector.broadcast %add3A_365 : i32 to vector<16xi32>
        %gather3A_367 = tpu.vector_load_idx %arg12[%broadcast_in_dim3A_366] : memref<80xf32, #tpu.memory_space<vmem>>[vector<16xi32>], vector<16xf32>,
        %get3A_368 = arith.index_cast %add3A_365 : i32 to index
        %get3A_369 = arith.constant 0 : index
        %get3A_370 = tpu.vector_load %arg11[%get3A_368, %get3A_369] {strides = array<i32>} : memref<80x128xf32, #tpu.memory_space<vmem>>, vector<16xf32>,
        %mul3A_371 = arith.mulf %get3A_370, %gather3A_367 : vector<16xf32>
        %swap3A_372 = arith.index_cast %add3A_365 : i32 to index
        %swap3A_373 = arith.constant 0 : index
        %swap3A_374 = tpu.vector_load %arg11[%swap3A_372, %swap3A_373] {strides = array<i32>} : memref<80x128xf32, #tpu.memory_space<vmem>>, vector<16xf32>,
        tpu.vector_store %arg11[%swap3A_372, %swap3A_373], %mul3A_371 {strides = array<i32>} : memref<80x128xf32, #tpu.memory_space<vmem>>, vector<16xf32>,
        %get3A_375 = arith.index_cast %add3A_365 : i32 to index
        %get3A_376 = arith.constant 16 : index
        %get3A_377 = tpu.vector_load %arg11[%get3A_375, %get3A_376] {strides = array<i32>} : memref<80x128xf32, #tpu.memory_space<vmem>>, vector<16xf32>,
        %mul3A_378 = arith.mulf %get3A_377, %gather3A_367 : vector<16xf32>
        %swap3A_379 = arith.index_cast %add3A_365 : i32 to index
        %swap3A_380 = arith.constant 16 : index
        %swap3A_381 = tpu.vector_load %arg11[%swap3A_379, %swap3A_380] {strides = array<i32>} : memref<80x128xf32, #tpu.memory_space<vmem>>, vector<16xf32>,
        tpu.vector_store %arg11[%swap3A_379, %swap3A_380], %mul3A_378 {strides = array<i32>} : memref<80x128xf32, #tpu.memory_space<vmem>>, vector<16xf32>,
        %get3A_382 = arith.index_cast %add3A_365 : i32 to index
        %get3A_383 = arith.constant 32 : index
        %get3A_384 = tpu.vector_load %arg11[%get3A_382, %get3A_383] {strides = array<i32>} : memref<80x128xf32, #tpu.memory_space<vmem>>, vector<16xf32>,
        %mul3A_385 = arith.mulf %get3A_384, %gather3A_367 : vector<16xf32>
        %swap3A_386 = arith.index_cast %add3A_365 : i32 to index
        %swap3A_387 = arith.constant 32 : index
        %swap3A_388 = tpu.vector_load %arg11[%swap3A_386, %swap3A_387] {strides = array<i32>} : memref<80x128xf32, #tpu.memory_space<vmem>>, vector<16xf32>,
        tpu.vector_store %arg11[%swap3A_386, %swap3A_387], %mul3A_385 {strides = array<i32>} : memref<80x128xf32, #tpu.memory_space<vmem>>, vector<16xf32>,
        %get3A_389 = arith.index_cast %add3A_365 : i32 to index
        %get3A_390 = arith.constant 48 : index
        %get3A_391 = tpu.vector_load %arg11[%get3A_389, %get3A_390] {strides = array<i32>} : memref<80x128xf32, #tpu.memory_space<vmem>>, vector<16xf32>,
        %mul3A_392 = arith.mulf %get3A_391, %gather3A_367 : vector<16xf32>
        %swap3A_393 = arith.index_cast %add3A_365 : i32 to index
        %swap3A_394 = arith.constant 48 : index
        %swap3A_395 = tpu.vector_load %arg11[%swap3A_393, %swap3A_394] {strides = array<i32>} : memref<80x128xf32, #tpu.memory_space<vmem>>, vector<16xf32>,
        tpu.vector_store %arg11[%swap3A_393, %swap3A_394], %mul3A_392 {strides = array<i32>} : memref<80x128xf32, #tpu.memory_space<vmem>>, vector<16xf32>,
        %get3A_396 = arith.index_cast %add3A_365 : i32 to index
        %get3A_397 = arith.constant 64 : index
        %get3A_398 = tpu.vector_load %arg11[%get3A_396, %get3A_397] {strides = array<i32>} : memref<80x128xf32, #tpu.memory_space<vmem>>, vector<16xf32>,
        %mul3A_399 = arith.mulf %get3A_398, %gather3A_367 : vector<16xf32>
        %swap3A_400 = arith.index_cast %add3A_365 : i32 to index
        %swap3A_401 = arith.constant 64 : index
        %swap3A_402 = tpu.vector_load %arg11[%swap3A_400, %swap3A_401] {strides = array<i32>} : memref<80x128xf32, #tpu.memory_space<vmem>>, vector<16xf32>,
        tpu.vector_store %arg11[%swap3A_400, %swap3A_401], %mul3A_399 {strides = array<i32>} : memref<80x128xf32, #tpu.memory_space<vmem>>, vector<16xf32>,
        %get3A_403 = arith.index_cast %add3A_365 : i32 to index
        %get3A_404 = arith.constant 80 : index
        %get3A_405 = tpu.vector_load %arg11[%get3A_403, %get3A_404] {strides = array<i32>} : memref<80x128xf32, #tpu.memory_space<vmem>>, vector<16xf32>,
        %mul3A_406 = arith.mulf %get3A_405, %gather3A_367 : vector<16xf32>
        %swap3A_407 = arith.index_cast %add3A_365 : i32 to index
        %swap3A_408 = arith.constant 80 : index
        %swap3A_409 = tpu.vector_load %arg11[%swap3A_407, %swap3A_408] {strides = array<i32>} : memref<80x128xf32, #tpu.memory_space<vmem>>, vector<16xf32>,
        tpu.vector_store %arg11[%swap3A_407, %swap3A_408], %mul3A_406 {strides = array<i32>} : memref<80x128xf32, #tpu.memory_space<vmem>>, vector<16xf32>,
        %get3A_410 = arith.index_cast %add3A_365 : i32 to index
        %get3A_411 = arith.constant 96 : index
        %get3A_412 = tpu.vector_load %arg11[%get3A_410, %get3A_411] {strides = array<i32>} : memref<80x128xf32, #tpu.memory_space<vmem>>, vector<16xf32>,
        %mul3A_413 = arith.mulf %get3A_412, %gather3A_367 : vector<16xf32>
        %swap3A_414 = arith.index_cast %add3A_365 : i32 to index
        %swap3A_415 = arith.constant 96 : index
        %swap3A_416 = tpu.vector_load %arg11[%swap3A_414, %swap3A_415] {strides = array<i32>} : memref<80x128xf32, #tpu.memory_space<vmem>>, vector<16xf32>,
        tpu.vector_store %arg11[%swap3A_414, %swap3A_415], %mul3A_413 {strides = array<i32>} : memref<80x128xf32, #tpu.memory_space<vmem>>, vector<16xf32>,
        %get3A_417 = arith.index_cast %add3A_365 : i32 to index
        %get3A_418 = arith.constant 112 : index
        %get3A_419 = tpu.vector_load %arg11[%get3A_417, %get3A_418] {strides = array<i32>} : memref<80x128xf32, #tpu.memory_space<vmem>>, vector<16xf32>,
        %mul3A_420 = arith.mulf %get3A_419, %gather3A_367 : vector<16xf32>
        %swap3A_421 = arith.index_cast %add3A_365 : i32 to index
        %swap3A_422 = arith.constant 112 : index
        %swap3A_423 = tpu.vector_load %arg11[%swap3A_421, %swap3A_422] {strides = array<i32>} : memref<80x128xf32, #tpu.memory_space<vmem>>, vector<16xf32>,
        tpu.vector_store %arg11[%swap3A_421, %swap3A_422], %mul3A_420 {strides = array<i32>} : memref<80x128xf32, #tpu.memory_space<vmem>>, vector<16xf32>,
      }
      %scan3A_334 = arith.constant 80 : i32
      %dma_start3A_335 = arith.constant 0 : i32
      %dma_start3A_336 = arith.constant 0 : i32
      %dma_start3A_337 = tpu.memref_slice %arg8[%dma_start3A_335, %dma_start3A_336] : memref<2x80xi32, #tpu.memory_space<vmem>> -> memref<1x80xi32, #tpu.memory_space<vmem>>
      %dma_start3A_338 = tpu.memref_squeeze %dma_start3A_337 : memref<1x80xi32, #tpu.memory_space<vmem>> -> memref<80xi32, #tpu.memory_space<vmem>>
      %dma_start3A_339 = arith.constant 0 : i32
      %dma_start3A_340 = arith.constant 0 : i32
      %dma_start3A_341 = tpu.memref_slice %arg15[%dma_start3A_339, %dma_start3A_340] : memref<10000x128xf32, #tpu.memory_space<vmem_shared>> -> memref<10000x128xf32, #tpu.memory_space<vmem_shared>>
      tpu.enqueue_indirect_dma source(%arg11 : memref<80x128xf32, #tpu.memory_space<vmem>>) target(%dma_start3A_341 : memref<10000x128xf32, #tpu.memory_space<vmem_shared>>) offsets(%dma_start3A_338 : memref<80xi32, #tpu.memory_space<vmem>>) semaphore(%arg17 : memref<!tpu.dma_semaphore, #tpu.memory_space<semaphore_mem>>) {add = true}
      %dma_start3A_342 = arith.constant 0 : i32
      %dma_start3A_343 = arith.constant 0 : i32
      %dma_start3A_344 = tpu.memref_slice %arg8[%dma_start3A_342, %dma_start3A_343] : memref<2x80xi32, #tpu.memory_space<vmem>> -> memref<1x80xi32, #tpu.memory_space<vmem>>
      %dma_start3A_345 = tpu.memref_squeeze %dma_start3A_344 : memref<1x80xi32, #tpu.memory_space<vmem>> -> memref<80xi32, #tpu.memory_space<vmem>>
      %dma_start3A_346 = arith.constant 0 : i32
      %dma_start3A_347 = tpu.memref_slice %arg16[%dma_start3A_346] : memref<10000xf32, #tpu.memory_space<vmem_shared>> -> memref<10000xf32, #tpu.memory_space<vmem_shared>>
      tpu.enqueue_indirect_dma source(%arg12 : memref<80xf32, #tpu.memory_space<vmem>>) target(%dma_start3A_347 : memref<10000xf32, #tpu.memory_space<vmem_shared>>) offsets(%dma_start3A_345 : memref<80xi32, #tpu.memory_space<vmem>>) semaphore(%arg18 : memref<!tpu.dma_semaphore, #tpu.memory_space<semaphore_mem>>) {add = true}
      %dma_wait3A_348 = arith.constant 0 : i32
      %dma_wait3A_349 = arith.constant 0 : i32
      %dma_wait3A_350 = tpu.memref_slice %arg8[%dma_wait3A_348, %dma_wait3A_349] : memref<2x80xi32, #tpu.memory_space<vmem>> -> memref<1x80xi32, #tpu.memory_space<vmem>>
      %dma_wait3A_351 = tpu.memref_squeeze %dma_wait3A_350 : memref<1x80xi32, #tpu.memory_space<vmem>> -> memref<80xi32, #tpu.memory_space<vmem>>
      %dma_wait3A_352 = arith.constant 0 : i32
      %dma_wait3A_353 = arith.constant 0 : i32
      %dma_wait3A_354 = tpu.memref_slice %arg15[%dma_wait3A_352, %dma_wait3A_353] : memref<10000x128xf32, #tpu.memory_space<vmem_shared>> -> memref<10000x128xf32, #tpu.memory_space<vmem_shared>>
      tpu.wait_indirect_dma semaphore(%arg17 : memref<!tpu.dma_semaphore, #tpu.memory_space<semaphore_mem>>) src(%arg11 : memref<80x128xf32, #tpu.memory_space<vmem>>) dst(%dma_wait3A_354 : memref<10000x128xf32, #tpu.memory_space<vmem_shared>>)
      %dma_wait3A_355 = arith.constant 0 : i32
      %dma_wait3A_356 = arith.constant 0 : i32
      %dma_wait3A_357 = tpu.memref_slice %arg8[%dma_wait3A_355, %dma_wait3A_356] : memref<2x80xi32, #tpu.memory_space<vmem>> -> memref<1x80xi32, #tpu.memory_space<vmem>>
      %dma_wait3A_358 = tpu.memref_squeeze %dma_wait3A_357 : memref<1x80xi32, #tpu.memory_space<vmem>> -> memref<80xi32, #tpu.memory_space<vmem>>
      %dma_wait3A_359 = arith.constant 0 : i32
      %dma_wait3A_360 = tpu.memref_slice %arg16[%dma_wait3A_359] : memref<10000xf32, #tpu.memory_space<vmem_shared>> -> memref<10000xf32, #tpu.memory_space<vmem_shared>>
      tpu.wait_indirect_dma semaphore(%arg18 : memref<!tpu.dma_semaphore, #tpu.memory_space<semaphore_mem>>) src(%arg12 : memref<80xf32, #tpu.memory_space<vmem>>) dst(%dma_wait3A_360 : memref<10000xf32, #tpu.memory_space<vmem_shared>>)
    }
    %scan3A_72 = arith.constant 125 : i32
    %barrier3A_73 = arith.constant 0 : index
    tpu.barrier barrier_id(%barrier3A_73)
    %add3A_74 = arith.constant 0 : i32
    %add3A_75 = arith.addi %arg1, %add3A_74 : i32
    %lt3A_76 = arith.constant 125 : i32
    %lt3A_77 = arith.cmpi slt, %add3A_75, %lt3A_76 : i32
    %convert_element_type3A_78 = arith.extui %lt3A_77 : i1 to i32
    %cond3A_79 = arith.constant 0 : i32
    %cond3A_80 = arith.cmpi ne, %convert_element_type3A_78, %cond3A_79 : i32
    scf.if %cond3A_80 {
      %mul3A_135 = arith.constant 80 : i32
      %mul3A_136 = arith.muli %add3A_75, %mul3A_135 : i32
      "tpu.region"() ({
        %run_scoped3A = tpu.sem_alloc : memref<!tpu.dma_semaphore, #tpu.memory_space<semaphore_mem>>
        %dma_start3A = arith.constant 0 : i32
        %dma_start3A_137 = tpu.memref_slice %arg15[%mul3A_136, %dma_start3A] : memref<10000x128xf32, #tpu.memory_space<vmem_shared>> -> memref<80x128xf32, #tpu.memory_space<vmem_shared>>
        %dma_start3A_138 = arith.constant 0 : i32
        %dma_start3A_139 = tpu.memref_slice %arg15[%mul3A_136, %dma_start3A_138] : memref<10000x128xf32, #tpu.memory_space<vmem_shared>> -> memref<80x128xf32, #tpu.memory_space<vmem_shared>>
        tpu.enqueue_dma source(%dma_start3A_139 : memref<80x128xf32, #tpu.memory_space<vmem_shared>>) target(%arg11 : memref<80x128xf32, #tpu.memory_space<vmem>>) target_semaphore(%run_scoped3A : memref<!tpu.dma_semaphore, #tpu.memory_space<semaphore_mem>>)
        %dma_wait3A = arith.constant 0 : i32
        %dma_wait3A_140 = tpu.memref_slice %arg15[%mul3A_136, %dma_wait3A] : memref<10000x128xf32, #tpu.memory_space<vmem_shared>> -> memref<80x128xf32, #tpu.memory_space<vmem_shared>>
        %dma_wait3A_141 = arith.constant 0 : i32
        %dma_wait3A_142 = tpu.memref_slice %arg15[%mul3A_136, %dma_wait3A_141] : memref<10000x128xf32, #tpu.memory_space<vmem_shared>> -> memref<80x128xf32, #tpu.memory_space<vmem_shared>>
        tpu.wait_dma2 semaphore(%run_scoped3A : memref<!tpu.dma_semaphore, #tpu.memory_space<semaphore_mem>>) src(%dma_wait3A_142 : memref<80x128xf32, #tpu.memory_space<vmem_shared>>) dst(%arg11 : memref<80x128xf32, #tpu.memory_space<vmem>>)
        tpu.yield
      }) : () -> ()
      "tpu.region"() ({
        %run_scoped3A = tpu.sem_alloc : memref<!tpu.dma_semaphore, #tpu.memory_space<semaphore_mem>>
        %dma_start3A = arith.constant 0 : i32
        %dma_start3A_137 = arith.constant 0 : i32
        %dma_start3A_138 = tpu.memref_slice %arg6[%arg0, %add3A_75, %dma_start3A, %dma_start3A_137] : memref<2x125x80x128xf32, #tpu.memory_space<hbm>> -> memref<1x1x80x128xf32, #tpu.memory_space<hbm>>
        %dma_start3A_139 = tpu.memref_squeeze %dma_start3A_138 : memref<1x1x80x128xf32, #tpu.memory_space<hbm>> -> memref<80x128xf32, #tpu.memory_space<hbm>>
        %dma_start3A_140 = arith.constant 0 : i32
        %dma_start3A_141 = arith.constant 0 : i32
        %dma_start3A_142 = tpu.memref_slice %arg6[%arg0, %add3A_75, %dma_start3A_140, %dma_start3A_141] : memref<2x125x80x128xf32, #tpu.memory_space<hbm>> -> memref<1x1x80x128xf32, #tpu.memory_space<hbm>>
        %dma_start3A_143 = tpu.memref_squeeze %dma_start3A_142 : memref<1x1x80x128xf32, #tpu.memory_space<hbm>> -> memref<80x128xf32, #tpu.memory_space<hbm>>
        tpu.enqueue_dma source(%arg11 : memref<80x128xf32, #tpu.memory_space<vmem>>) target(%dma_start3A_143 : memref<80x128xf32, #tpu.memory_space<hbm>>) target_semaphore(%run_scoped3A : memref<!tpu.dma_semaphore, #tpu.memory_space<semaphore_mem>>)
        %dma_wait3A = arith.constant 0 : i32
        %dma_wait3A_144 = arith.constant 0 : i32
        %dma_wait3A_145 = tpu.memref_slice %arg6[%arg0, %add3A_75, %dma_wait3A, %dma_wait3A_144] : memref<2x125x80x128xf32, #tpu.memory_space<hbm>> -> memref<1x1x80x128xf32, #tpu.memory_space<hbm>>
        %dma_wait3A_146 = tpu.memref_squeeze %dma_wait3A_145 : memref<1x1x80x128xf32, #tpu.memory_space<hbm>> -> memref<80x128xf32, #tpu.memory_space<hbm>>
        %dma_wait3A_147 = arith.constant 0 : i32
        %dma_wait3A_148 = arith.constant 0 : i32
        %dma_wait3A_149 = tpu.memref_slice %arg6[%arg0, %add3A_75, %dma_wait3A_147, %dma_wait3A_148] : memref<2x125x80x128xf32, #tpu.memory_space<hbm>> -> memref<1x1x80x128xf32, #tpu.memory_space<hbm>>
        %dma_wait3A_150 = tpu.memref_squeeze %dma_wait3A_149 : memref<1x1x80x128xf32, #tpu.memory_space<hbm>> -> memref<80x128xf32, #tpu.memory_space<hbm>>
        tpu.wait_dma2 semaphore(%run_scoped3A : memref<!tpu.dma_semaphore, #tpu.memory_space<semaphore_mem>>) src(%arg11 : memref<80x128xf32, #tpu.memory_space<vmem>>) dst(%dma_wait3A_150 : memref<80x128xf32, #tpu.memory_space<hbm>>)
        tpu.yield
      }) : () -> ()
    } else {
    }
    %add3A_81 = arith.constant 16 : i32
    %add3A_82 = arith.addi %arg1, %add3A_81 : i32
    %lt3A_83 = arith.constant 125 : i32
    %lt3A_84 = arith.cmpi slt, %add3A_82, %lt3A_83 : i32
    %convert_element_type3A_85 = arith.extui %lt3A_84 : i1 to i32
    %cond3A_86 = arith.constant 0 : i32
    %cond3A_87 = arith.cmpi ne, %convert_element_type3A_85, %cond3A_86 : i32
    scf.if %cond3A_87 {
      %mul3A_135 = arith.constant 80 : i32
      %mul3A_136 = arith.muli %add3A_82, %mul3A_135 : i32
      "tpu.region"() ({
        %run_scoped3A = tpu.sem_alloc : memref<!tpu.dma_semaphore, #tpu.memory_space<semaphore_mem>>
        %dma_start3A = arith.constant 0 : i32
        %dma_start3A_137 = tpu.memref_slice %arg15[%mul3A_136, %dma_start3A] : memref<10000x128xf32, #tpu.memory_space<vmem_shared>> -> memref<80x128xf32, #tpu.memory_space<vmem_shared>>
        %dma_start3A_138 = arith.constant 0 : i32
        %dma_start3A_139 = tpu.memref_slice %arg15[%mul3A_136, %dma_start3A_138] : memref<10000x128xf32, #tpu.memory_space<vmem_shared>> -> memref<80x128xf32, #tpu.memory_space<vmem_shared>>
        tpu.enqueue_dma source(%dma_start3A_139 : memref<80x128xf32, #tpu.memory_space<vmem_shared>>) target(%arg11 : memref<80x128xf32, #tpu.memory_space<vmem>>) target_semaphore(%run_scoped3A : memref<!tpu.dma_semaphore, #tpu.memory_space<semaphore_mem>>)
        %dma_wait3A = arith.constant 0 : i32
        %dma_wait3A_140 = tpu.memref_slice %arg15[%mul3A_136, %dma_wait3A] : memref<10000x128xf32, #tpu.memory_space<vmem_shared>> -> memref<80x128xf32, #tpu.memory_space<vmem_shared>>
        %dma_wait3A_141 = arith.constant 0 : i32
        %dma_wait3A_142 = tpu.memref_slice %arg15[%mul3A_136, %dma_wait3A_141] : memref<10000x128xf32, #tpu.memory_space<vmem_shared>> -> memref<80x128xf32, #tpu.memory_space<vmem_shared>>
        tpu.wait_dma2 semaphore(%run_scoped3A : memref<!tpu.dma_semaphore, #tpu.memory_space<semaphore_mem>>) src(%dma_wait3A_142 : memref<80x128xf32, #tpu.memory_space<vmem_shared>>) dst(%arg11 : memref<80x128xf32, #tpu.memory_space<vmem>>)
        tpu.yield
      }) : () -> ()
      "tpu.region"() ({
        %run_scoped3A = tpu.sem_alloc : memref<!tpu.dma_semaphore, #tpu.memory_space<semaphore_mem>>
        %dma_start3A = arith.constant 0 : i32
        %dma_start3A_137 = arith.constant 0 : i32
        %dma_start3A_138 = tpu.memref_slice %arg6[%arg0, %add3A_82, %dma_start3A, %dma_start3A_137] : memref<2x125x80x128xf32, #tpu.memory_space<hbm>> -> memref<1x1x80x128xf32, #tpu.memory_space<hbm>>
        %dma_start3A_139 = tpu.memref_squeeze %dma_start3A_138 : memref<1x1x80x128xf32, #tpu.memory_space<hbm>> -> memref<80x128xf32, #tpu.memory_space<hbm>>
        %dma_start3A_140 = arith.constant 0 : i32
        %dma_start3A_141 = arith.constant 0 : i32
        %dma_start3A_142 = tpu.memref_slice %arg6[%arg0, %add3A_82, %dma_start3A_140, %dma_start3A_141] : memref<2x125x80x128xf32, #tpu.memory_space<hbm>> -> memref<1x1x80x128xf32, #tpu.memory_space<hbm>>
        %dma_start3A_143 = tpu.memref_squeeze %dma_start3A_142 : memref<1x1x80x128xf32, #tpu.memory_space<hbm>> -> memref<80x128xf32, #tpu.memory_space<hbm>>
        tpu.enqueue_dma source(%arg11 : memref<80x128xf32, #tpu.memory_space<vmem>>) target(%dma_start3A_143 : memref<80x128xf32, #tpu.memory_space<hbm>>) target_semaphore(%run_scoped3A : memref<!tpu.dma_semaphore, #tpu.memory_space<semaphore_mem>>)
        %dma_wait3A = arith.constant 0 : i32
        %dma_wait3A_144 = arith.constant 0 : i32
        %dma_wait3A_145 = tpu.memref_slice %arg6[%arg0, %add3A_82, %dma_wait3A, %dma_wait3A_144] : memref<2x125x80x128xf32, #tpu.memory_space<hbm>> -> memref<1x1x80x128xf32, #tpu.memory_space<hbm>>
        %dma_wait3A_146 = tpu.memref_squeeze %dma_wait3A_145 : memref<1x1x80x128xf32, #tpu.memory_space<hbm>> -> memref<80x128xf32, #tpu.memory_space<hbm>>
        %dma_wait3A_147 = arith.constant 0 : i32
        %dma_wait3A_148 = arith.constant 0 : i32
        %dma_wait3A_149 = tpu.memref_slice %arg6[%arg0, %add3A_82, %dma_wait3A_147, %dma_wait3A_148] : memref<2x125x80x128xf32, #tpu.memory_space<hbm>> -> memref<1x1x80x128xf32, #tpu.memory_space<hbm>>
        %dma_wait3A_150 = tpu.memref_squeeze %dma_wait3A_149 : memref<1x1x80x128xf32, #tpu.memory_space<hbm>> -> memref<80x128xf32, #tpu.memory_space<hbm>>
        tpu.wait_dma2 semaphore(%run_scoped3A : memref<!tpu.dma_semaphore, #tpu.memory_space<semaphore_mem>>) src(%arg11 : memref<80x128xf32, #tpu.memory_space<vmem>>) dst(%dma_wait3A_150 : memref<80x128xf32, #tpu.memory_space<hbm>>)
        tpu.yield
      }) : () -> ()
    } else {
    }
    %add3A_88 = arith.constant 32 : i32
    %add3A_89 = arith.addi %arg1, %add3A_88 : i32
    %lt3A_90 = arith.constant 125 : i32
    %lt3A_91 = arith.cmpi slt, %add3A_89, %lt3A_90 : i32
    %convert_element_type3A_92 = arith.extui %lt3A_91 : i1 to i32
    %cond3A_93 = arith.constant 0 : i32
    %cond3A_94 = arith.cmpi ne, %convert_element_type3A_92, %cond3A_93 : i32
    scf.if %cond3A_94 {
      %mul3A_135 = arith.constant 80 : i32
      %mul3A_136 = arith.muli %add3A_89, %mul3A_135 : i32
      "tpu.region"() ({
        %run_scoped3A = tpu.sem_alloc : memref<!tpu.dma_semaphore, #tpu.memory_space<semaphore_mem>>
        %dma_start3A = arith.constant 0 : i32
        %dma_start3A_137 = tpu.memref_slice %arg15[%mul3A_136, %dma_start3A] : memref<10000x128xf32, #tpu.memory_space<vmem_shared>> -> memref<80x128xf32, #tpu.memory_space<vmem_shared>>
        %dma_start3A_138 = arith.constant 0 : i32
        %dma_start3A_139 = tpu.memref_slice %arg15[%mul3A_136, %dma_start3A_138] : memref<10000x128xf32, #tpu.memory_space<vmem_shared>> -> memref<80x128xf32, #tpu.memory_space<vmem_shared>>
        tpu.enqueue_dma source(%dma_start3A_139 : memref<80x128xf32, #tpu.memory_space<vmem_shared>>) target(%arg11 : memref<80x128xf32, #tpu.memory_space<vmem>>) target_semaphore(%run_scoped3A : memref<!tpu.dma_semaphore, #tpu.memory_space<semaphore_mem>>)
        %dma_wait3A = arith.constant 0 : i32
        %dma_wait3A_140 = tpu.memref_slice %arg15[%mul3A_136, %dma_wait3A] : memref<10000x128xf32, #tpu.memory_space<vmem_shared>> -> memref<80x128xf32, #tpu.memory_space<vmem_shared>>
        %dma_wait3A_141 = arith.constant 0 : i32
        %dma_wait3A_142 = tpu.memref_slice %arg15[%mul3A_136, %dma_wait3A_141] : memref<10000x128xf32, #tpu.memory_space<vmem_shared>> -> memref<80x128xf32, #tpu.memory_space<vmem_shared>>
        tpu.wait_dma2 semaphore(%run_scoped3A : memref<!tpu.dma_semaphore, #tpu.memory_space<semaphore_mem>>) src(%dma_wait3A_142 : memref<80x128xf32, #tpu.memory_space<vmem_shared>>) dst(%arg11 : memref<80x128xf32, #tpu.memory_space<vmem>>)
        tpu.yield
      }) : () -> ()
      "tpu.region"() ({
        %run_scoped3A = tpu.sem_alloc : memref<!tpu.dma_semaphore, #tpu.memory_space<semaphore_mem>>
        %dma_start3A = arith.constant 0 : i32
        %dma_start3A_137 = arith.constant 0 : i32
        %dma_start3A_138 = tpu.memref_slice %arg6[%arg0, %add3A_89, %dma_start3A, %dma_start3A_137] : memref<2x125x80x128xf32, #tpu.memory_space<hbm>> -> memref<1x1x80x128xf32, #tpu.memory_space<hbm>>
        %dma_start3A_139 = tpu.memref_squeeze %dma_start3A_138 : memref<1x1x80x128xf32, #tpu.memory_space<hbm>> -> memref<80x128xf32, #tpu.memory_space<hbm>>
        %dma_start3A_140 = arith.constant 0 : i32
        %dma_start3A_141 = arith.constant 0 : i32
        %dma_start3A_142 = tpu.memref_slice %arg6[%arg0, %add3A_89, %dma_start3A_140, %dma_start3A_141] : memref<2x125x80x128xf32, #tpu.memory_space<hbm>> -> memref<1x1x80x128xf32, #tpu.memory_space<hbm>>
        %dma_start3A_143 = tpu.memref_squeeze %dma_start3A_142 : memref<1x1x80x128xf32, #tpu.memory_space<hbm>> -> memref<80x128xf32, #tpu.memory_space<hbm>>
        tpu.enqueue_dma source(%arg11 : memref<80x128xf32, #tpu.memory_space<vmem>>) target(%dma_start3A_143 : memref<80x128xf32, #tpu.memory_space<hbm>>) target_semaphore(%run_scoped3A : memref<!tpu.dma_semaphore, #tpu.memory_space<semaphore_mem>>)
        %dma_wait3A = arith.constant 0 : i32
        %dma_wait3A_144 = arith.constant 0 : i32
        %dma_wait3A_145 = tpu.memref_slice %arg6[%arg0, %add3A_89, %dma_wait3A, %dma_wait3A_144] : memref<2x125x80x128xf32, #tpu.memory_space<hbm>> -> memref<1x1x80x128xf32, #tpu.memory_space<hbm>>
        %dma_wait3A_146 = tpu.memref_squeeze %dma_wait3A_145 : memref<1x1x80x128xf32, #tpu.memory_space<hbm>> -> memref<80x128xf32, #tpu.memory_space<hbm>>
        %dma_wait3A_147 = arith.constant 0 : i32
        %dma_wait3A_148 = arith.constant 0 : i32
        %dma_wait3A_149 = tpu.memref_slice %arg6[%arg0, %add3A_89, %dma_wait3A_147, %dma_wait3A_148] : memref<2x125x80x128xf32, #tpu.memory_space<hbm>> -> memref<1x1x80x128xf32, #tpu.memory_space<hbm>>
        %dma_wait3A_150 = tpu.memref_squeeze %dma_wait3A_149 : memref<1x1x80x128xf32, #tpu.memory_space<hbm>> -> memref<80x128xf32, #tpu.memory_space<hbm>>
        tpu.wait_dma2 semaphore(%run_scoped3A : memref<!tpu.dma_semaphore, #tpu.memory_space<semaphore_mem>>) src(%arg11 : memref<80x128xf32, #tpu.memory_space<vmem>>) dst(%dma_wait3A_150 : memref<80x128xf32, #tpu.memory_space<hbm>>)
        tpu.yield
      }) : () -> ()
    } else {
    }
    %add3A_95 = arith.constant 48 : i32
    %add3A_96 = arith.addi %arg1, %add3A_95 : i32
    %lt3A_97 = arith.constant 125 : i32
    %lt3A_98 = arith.cmpi slt, %add3A_96, %lt3A_97 : i32
    %convert_element_type3A_99 = arith.extui %lt3A_98 : i1 to i32
    %cond3A_100 = arith.constant 0 : i32
    %cond3A_101 = arith.cmpi ne, %convert_element_type3A_99, %cond3A_100 : i32
    scf.if %cond3A_101 {
      %mul3A_135 = arith.constant 80 : i32
      %mul3A_136 = arith.muli %add3A_96, %mul3A_135 : i32
      "tpu.region"() ({
        %run_scoped3A = tpu.sem_alloc : memref<!tpu.dma_semaphore, #tpu.memory_space<semaphore_mem>>
        %dma_start3A = arith.constant 0 : i32
        %dma_start3A_137 = tpu.memref_slice %arg15[%mul3A_136, %dma_start3A] : memref<10000x128xf32, #tpu.memory_space<vmem_shared>> -> memref<80x128xf32, #tpu.memory_space<vmem_shared>>
        %dma_start3A_138 = arith.constant 0 : i32
        %dma_start3A_139 = tpu.memref_slice %arg15[%mul3A_136, %dma_start3A_138] : memref<10000x128xf32, #tpu.memory_space<vmem_shared>> -> memref<80x128xf32, #tpu.memory_space<vmem_shared>>
        tpu.enqueue_dma source(%dma_start3A_139 : memref<80x128xf32, #tpu.memory_space<vmem_shared>>) target(%arg11 : memref<80x128xf32, #tpu.memory_space<vmem>>) target_semaphore(%run_scoped3A : memref<!tpu.dma_semaphore, #tpu.memory_space<semaphore_mem>>)
        %dma_wait3A = arith.constant 0 : i32
        %dma_wait3A_140 = tpu.memref_slice %arg15[%mul3A_136, %dma_wait3A] : memref<10000x128xf32, #tpu.memory_space<vmem_shared>> -> memref<80x128xf32, #tpu.memory_space<vmem_shared>>
        %dma_wait3A_141 = arith.constant 0 : i32
        %dma_wait3A_142 = tpu.memref_slice %arg15[%mul3A_136, %dma_wait3A_141] : memref<10000x128xf32, #tpu.memory_space<vmem_shared>> -> memref<80x128xf32, #tpu.memory_space<vmem_shared>>
        tpu.wait_dma2 semaphore(%run_scoped3A : memref<!tpu.dma_semaphore, #tpu.memory_space<semaphore_mem>>) src(%dma_wait3A_142 : memref<80x128xf32, #tpu.memory_space<vmem_shared>>) dst(%arg11 : memref<80x128xf32, #tpu.memory_space<vmem>>)
        tpu.yield
      }) : () -> ()
      "tpu.region"() ({
        %run_scoped3A = tpu.sem_alloc : memref<!tpu.dma_semaphore, #tpu.memory_space<semaphore_mem>>
        %dma_start3A = arith.constant 0 : i32
        %dma_start3A_137 = arith.constant 0 : i32
        %dma_start3A_138 = tpu.memref_slice %arg6[%arg0, %add3A_96, %dma_start3A, %dma_start3A_137] : memref<2x125x80x128xf32, #tpu.memory_space<hbm>> -> memref<1x1x80x128xf32, #tpu.memory_space<hbm>>
        %dma_start3A_139 = tpu.memref_squeeze %dma_start3A_138 : memref<1x1x80x128xf32, #tpu.memory_space<hbm>> -> memref<80x128xf32, #tpu.memory_space<hbm>>
        %dma_start3A_140 = arith.constant 0 : i32
        %dma_start3A_141 = arith.constant 0 : i32
        %dma_start3A_142 = tpu.memref_slice %arg6[%arg0, %add3A_96, %dma_start3A_140, %dma_start3A_141] : memref<2x125x80x128xf32, #tpu.memory_space<hbm>> -> memref<1x1x80x128xf32, #tpu.memory_space<hbm>>
        %dma_start3A_143 = tpu.memref_squeeze %dma_start3A_142 : memref<1x1x80x128xf32, #tpu.memory_space<hbm>> -> memref<80x128xf32, #tpu.memory_space<hbm>>
        tpu.enqueue_dma source(%arg11 : memref<80x128xf32, #tpu.memory_space<vmem>>) target(%dma_start3A_143 : memref<80x128xf32, #tpu.memory_space<hbm>>) target_semaphore(%run_scoped3A : memref<!tpu.dma_semaphore, #tpu.memory_space<semaphore_mem>>)
        %dma_wait3A = arith.constant 0 : i32
        %dma_wait3A_144 = arith.constant 0 : i32
        %dma_wait3A_145 = tpu.memref_slice %arg6[%arg0, %add3A_96, %dma_wait3A, %dma_wait3A_144] : memref<2x125x80x128xf32, #tpu.memory_space<hbm>> -> memref<1x1x80x128xf32, #tpu.memory_space<hbm>>
        %dma_wait3A_146 = tpu.memref_squeeze %dma_wait3A_145 : memref<1x1x80x128xf32, #tpu.memory_space<hbm>> -> memref<80x128xf32, #tpu.memory_space<hbm>>
        %dma_wait3A_147 = arith.constant 0 : i32
        %dma_wait3A_148 = arith.constant 0 : i32
        %dma_wait3A_149 = tpu.memref_slice %arg6[%arg0, %add3A_96, %dma_wait3A_147, %dma_wait3A_148] : memref<2x125x80x128xf32, #tpu.memory_space<hbm>> -> memref<1x1x80x128xf32, #tpu.memory_space<hbm>>
        %dma_wait3A_150 = tpu.memref_squeeze %dma_wait3A_149 : memref<1x1x80x128xf32, #tpu.memory_space<hbm>> -> memref<80x128xf32, #tpu.memory_space<hbm>>
        tpu.wait_dma2 semaphore(%run_scoped3A : memref<!tpu.dma_semaphore, #tpu.memory_space<semaphore_mem>>) src(%arg11 : memref<80x128xf32, #tpu.memory_space<vmem>>) dst(%dma_wait3A_150 : memref<80x128xf32, #tpu.memory_space<hbm>>)
        tpu.yield
      }) : () -> ()
    } else {
    }
    %add3A_102 = arith.constant 64 : i32
    %add3A_103 = arith.addi %arg1, %add3A_102 : i32
    %lt3A_104 = arith.constant 125 : i32
    %lt3A_105 = arith.cmpi slt, %add3A_103, %lt3A_104 : i32
    %convert_element_type3A_106 = arith.extui %lt3A_105 : i1 to i32
    %cond3A_107 = arith.constant 0 : i32
    %cond3A_108 = arith.cmpi ne, %convert_element_type3A_106, %cond3A_107 : i32
    scf.if %cond3A_108 {
      %mul3A_135 = arith.constant 80 : i32
      %mul3A_136 = arith.muli %add3A_103, %mul3A_135 : i32
      "tpu.region"() ({
        %run_scoped3A = tpu.sem_alloc : memref<!tpu.dma_semaphore, #tpu.memory_space<semaphore_mem>>
        %dma_start3A = arith.constant 0 : i32
        %dma_start3A_137 = tpu.memref_slice %arg15[%mul3A_136, %dma_start3A] : memref<10000x128xf32, #tpu.memory_space<vmem_shared>> -> memref<80x128xf32, #tpu.memory_space<vmem_shared>>
        %dma_start3A_138 = arith.constant 0 : i32
        %dma_start3A_139 = tpu.memref_slice %arg15[%mul3A_136, %dma_start3A_138] : memref<10000x128xf32, #tpu.memory_space<vmem_shared>> -> memref<80x128xf32, #tpu.memory_space<vmem_shared>>
        tpu.enqueue_dma source(%dma_start3A_139 : memref<80x128xf32, #tpu.memory_space<vmem_shared>>) target(%arg11 : memref<80x128xf32, #tpu.memory_space<vmem>>) target_semaphore(%run_scoped3A : memref<!tpu.dma_semaphore, #tpu.memory_space<semaphore_mem>>)
        %dma_wait3A = arith.constant 0 : i32
        %dma_wait3A_140 = tpu.memref_slice %arg15[%mul3A_136, %dma_wait3A] : memref<10000x128xf32, #tpu.memory_space<vmem_shared>> -> memref<80x128xf32, #tpu.memory_space<vmem_shared>>
        %dma_wait3A_141 = arith.constant 0 : i32
        %dma_wait3A_142 = tpu.memref_slice %arg15[%mul3A_136, %dma_wait3A_141] : memref<10000x128xf32, #tpu.memory_space<vmem_shared>> -> memref<80x128xf32, #tpu.memory_space<vmem_shared>>
        tpu.wait_dma2 semaphore(%run_scoped3A : memref<!tpu.dma_semaphore, #tpu.memory_space<semaphore_mem>>) src(%dma_wait3A_142 : memref<80x128xf32, #tpu.memory_space<vmem_shared>>) dst(%arg11 : memref<80x128xf32, #tpu.memory_space<vmem>>)
        tpu.yield
      }) : () -> ()
      "tpu.region"() ({
        %run_scoped3A = tpu.sem_alloc : memref<!tpu.dma_semaphore, #tpu.memory_space<semaphore_mem>>
        %dma_start3A = arith.constant 0 : i32
        %dma_start3A_137 = arith.constant 0 : i32
        %dma_start3A_138 = tpu.memref_slice %arg6[%arg0, %add3A_103, %dma_start3A, %dma_start3A_137] : memref<2x125x80x128xf32, #tpu.memory_space<hbm>> -> memref<1x1x80x128xf32, #tpu.memory_space<hbm>>
        %dma_start3A_139 = tpu.memref_squeeze %dma_start3A_138 : memref<1x1x80x128xf32, #tpu.memory_space<hbm>> -> memref<80x128xf32, #tpu.memory_space<hbm>>
        %dma_start3A_140 = arith.constant 0 : i32
        %dma_start3A_141 = arith.constant 0 : i32
        %dma_start3A_142 = tpu.memref_slice %arg6[%arg0, %add3A_103, %dma_start3A_140, %dma_start3A_141] : memref<2x125x80x128xf32, #tpu.memory_space<hbm>> -> memref<1x1x80x128xf32, #tpu.memory_space<hbm>>
        %dma_start3A_143 = tpu.memref_squeeze %dma_start3A_142 : memref<1x1x80x128xf32, #tpu.memory_space<hbm>> -> memref<80x128xf32, #tpu.memory_space<hbm>>
        tpu.enqueue_dma source(%arg11 : memref<80x128xf32, #tpu.memory_space<vmem>>) target(%dma_start3A_143 : memref<80x128xf32, #tpu.memory_space<hbm>>) target_semaphore(%run_scoped3A : memref<!tpu.dma_semaphore, #tpu.memory_space<semaphore_mem>>)
        %dma_wait3A = arith.constant 0 : i32
        %dma_wait3A_144 = arith.constant 0 : i32
        %dma_wait3A_145 = tpu.memref_slice %arg6[%arg0, %add3A_103, %dma_wait3A, %dma_wait3A_144] : memref<2x125x80x128xf32, #tpu.memory_space<hbm>> -> memref<1x1x80x128xf32, #tpu.memory_space<hbm>>
        %dma_wait3A_146 = tpu.memref_squeeze %dma_wait3A_145 : memref<1x1x80x128xf32, #tpu.memory_space<hbm>> -> memref<80x128xf32, #tpu.memory_space<hbm>>
        %dma_wait3A_147 = arith.constant 0 : i32
        %dma_wait3A_148 = arith.constant 0 : i32
        %dma_wait3A_149 = tpu.memref_slice %arg6[%arg0, %add3A_103, %dma_wait3A_147, %dma_wait3A_148] : memref<2x125x80x128xf32, #tpu.memory_space<hbm>> -> memref<1x1x80x128xf32, #tpu.memory_space<hbm>>
        %dma_wait3A_150 = tpu.memref_squeeze %dma_wait3A_149 : memref<1x1x80x128xf32, #tpu.memory_space<hbm>> -> memref<80x128xf32, #tpu.memory_space<hbm>>
        tpu.wait_dma2 semaphore(%run_scoped3A : memref<!tpu.dma_semaphore, #tpu.memory_space<semaphore_mem>>) src(%arg11 : memref<80x128xf32, #tpu.memory_space<vmem>>) dst(%dma_wait3A_150 : memref<80x128xf32, #tpu.memory_space<hbm>>)
        tpu.yield
      }) : () -> ()
    } else {
    }
    %add3A_109 = arith.constant 80 : i32
    %add3A_110 = arith.addi %arg1, %add3A_109 : i32
    %lt3A_111 = arith.constant 125 : i32
    %lt3A_112 = arith.cmpi slt, %add3A_110, %lt3A_111 : i32
    %convert_element_type3A_113 = arith.extui %lt3A_112 : i1 to i32
    %cond3A_114 = arith.constant 0 : i32
    %cond3A_115 = arith.cmpi ne, %convert_element_type3A_113, %cond3A_114 : i32
    scf.if %cond3A_115 {
      %mul3A_135 = arith.constant 80 : i32
      %mul3A_136 = arith.muli %add3A_110, %mul3A_135 : i32
      "tpu.region"() ({
        %run_scoped3A = tpu.sem_alloc : memref<!tpu.dma_semaphore, #tpu.memory_space<semaphore_mem>>
        %dma_start3A = arith.constant 0 : i32
        %dma_start3A_137 = tpu.memref_slice %arg15[%mul3A_136, %dma_start3A] : memref<10000x128xf32, #tpu.memory_space<vmem_shared>> -> memref<80x128xf32, #tpu.memory_space<vmem_shared>>
        %dma_start3A_138 = arith.constant 0 : i32
        %dma_start3A_139 = tpu.memref_slice %arg15[%mul3A_136, %dma_start3A_138] : memref<10000x128xf32, #tpu.memory_space<vmem_shared>> -> memref<80x128xf32, #tpu.memory_space<vmem_shared>>
        tpu.enqueue_dma source(%dma_start3A_139 : memref<80x128xf32, #tpu.memory_space<vmem_shared>>) target(%arg11 : memref<80x128xf32, #tpu.memory_space<vmem>>) target_semaphore(%run_scoped3A : memref<!tpu.dma_semaphore, #tpu.memory_space<semaphore_mem>>)
        %dma_wait3A = arith.constant 0 : i32
        %dma_wait3A_140 = tpu.memref_slice %arg15[%mul3A_136, %dma_wait3A] : memref<10000x128xf32, #tpu.memory_space<vmem_shared>> -> memref<80x128xf32, #tpu.memory_space<vmem_shared>>
        %dma_wait3A_141 = arith.constant 0 : i32
        %dma_wait3A_142 = tpu.memref_slice %arg15[%mul3A_136, %dma_wait3A_141] : memref<10000x128xf32, #tpu.memory_space<vmem_shared>> -> memref<80x128xf32, #tpu.memory_space<vmem_shared>>
        tpu.wait_dma2 semaphore(%run_scoped3A : memref<!tpu.dma_semaphore, #tpu.memory_space<semaphore_mem>>) src(%dma_wait3A_142 : memref<80x128xf32, #tpu.memory_space<vmem_shared>>) dst(%arg11 : memref<80x128xf32, #tpu.memory_space<vmem>>)
        tpu.yield
      }) : () -> ()
      "tpu.region"() ({
        %run_scoped3A = tpu.sem_alloc : memref<!tpu.dma_semaphore, #tpu.memory_space<semaphore_mem>>
        %dma_start3A = arith.constant 0 : i32
        %dma_start3A_137 = arith.constant 0 : i32
        %dma_start3A_138 = tpu.memref_slice %arg6[%arg0, %add3A_110, %dma_start3A, %dma_start3A_137] : memref<2x125x80x128xf32, #tpu.memory_space<hbm>> -> memref<1x1x80x128xf32, #tpu.memory_space<hbm>>
        %dma_start3A_139 = tpu.memref_squeeze %dma_start3A_138 : memref<1x1x80x128xf32, #tpu.memory_space<hbm>> -> memref<80x128xf32, #tpu.memory_space<hbm>>
        %dma_start3A_140 = arith.constant 0 : i32
        %dma_start3A_141 = arith.constant 0 : i32
        %dma_start3A_142 = tpu.memref_slice %arg6[%arg0, %add3A_110, %dma_start3A_140, %dma_start3A_141] : memref<2x125x80x128xf32, #tpu.memory_space<hbm>> -> memref<1x1x80x128xf32, #tpu.memory_space<hbm>>
        %dma_start3A_143 = tpu.memref_squeeze %dma_start3A_142 : memref<1x1x80x128xf32, #tpu.memory_space<hbm>> -> memref<80x128xf32, #tpu.memory_space<hbm>>
        tpu.enqueue_dma source(%arg11 : memref<80x128xf32, #tpu.memory_space<vmem>>) target(%dma_start3A_143 : memref<80x128xf32, #tpu.memory_space<hbm>>) target_semaphore(%run_scoped3A : memref<!tpu.dma_semaphore, #tpu.memory_space<semaphore_mem>>)
        %dma_wait3A = arith.constant 0 : i32
        %dma_wait3A_144 = arith.constant 0 : i32
        %dma_wait3A_145 = tpu.memref_slice %arg6[%arg0, %add3A_110, %dma_wait3A, %dma_wait3A_144] : memref<2x125x80x128xf32, #tpu.memory_space<hbm>> -> memref<1x1x80x128xf32, #tpu.memory_space<hbm>>
        %dma_wait3A_146 = tpu.memref_squeeze %dma_wait3A_145 : memref<1x1x80x128xf32, #tpu.memory_space<hbm>> -> memref<80x128xf32, #tpu.memory_space<hbm>>
        %dma_wait3A_147 = arith.constant 0 : i32
        %dma_wait3A_148 = arith.constant 0 : i32
        %dma_wait3A_149 = tpu.memref_slice %arg6[%arg0, %add3A_110, %dma_wait3A_147, %dma_wait3A_148] : memref<2x125x80x128xf32, #tpu.memory_space<hbm>> -> memref<1x1x80x128xf32, #tpu.memory_space<hbm>>
        %dma_wait3A_150 = tpu.memref_squeeze %dma_wait3A_149 : memref<1x1x80x128xf32, #tpu.memory_space<hbm>> -> memref<80x128xf32, #tpu.memory_space<hbm>>
        tpu.wait_dma2 semaphore(%run_scoped3A : memref<!tpu.dma_semaphore, #tpu.memory_space<semaphore_mem>>) src(%arg11 : memref<80x128xf32, #tpu.memory_space<vmem>>) dst(%dma_wait3A_150 : memref<80x128xf32, #tpu.memory_space<hbm>>)
        tpu.yield
      }) : () -> ()
    } else {
    }
    %add3A_116 = arith.constant 96 : i32
    %add3A_117 = arith.addi %arg1, %add3A_116 : i32
    %lt3A_118 = arith.constant 125 : i32
    %lt3A_119 = arith.cmpi slt, %add3A_117, %lt3A_118 : i32
    %convert_element_type3A_120 = arith.extui %lt3A_119 : i1 to i32
    %cond3A_121 = arith.constant 0 : i32
    %cond3A_122 = arith.cmpi ne, %convert_element_type3A_120, %cond3A_121 : i32
    scf.if %cond3A_122 {
      %mul3A_135 = arith.constant 80 : i32
      %mul3A_136 = arith.muli %add3A_117, %mul3A_135 : i32
      "tpu.region"() ({
        %run_scoped3A = tpu.sem_alloc : memref<!tpu.dma_semaphore, #tpu.memory_space<semaphore_mem>>
        %dma_start3A = arith.constant 0 : i32
        %dma_start3A_137 = tpu.memref_slice %arg15[%mul3A_136, %dma_start3A] : memref<10000x128xf32, #tpu.memory_space<vmem_shared>> -> memref<80x128xf32, #tpu.memory_space<vmem_shared>>
        %dma_start3A_138 = arith.constant 0 : i32
        %dma_start3A_139 = tpu.memref_slice %arg15[%mul3A_136, %dma_start3A_138] : memref<10000x128xf32, #tpu.memory_space<vmem_shared>> -> memref<80x128xf32, #tpu.memory_space<vmem_shared>>
        tpu.enqueue_dma source(%dma_start3A_139 : memref<80x128xf32, #tpu.memory_space<vmem_shared>>) target(%arg11 : memref<80x128xf32, #tpu.memory_space<vmem>>) target_semaphore(%run_scoped3A : memref<!tpu.dma_semaphore, #tpu.memory_space<semaphore_mem>>)
        %dma_wait3A = arith.constant 0 : i32
        %dma_wait3A_140 = tpu.memref_slice %arg15[%mul3A_136, %dma_wait3A] : memref<10000x128xf32, #tpu.memory_space<vmem_shared>> -> memref<80x128xf32, #tpu.memory_space<vmem_shared>>
        %dma_wait3A_141 = arith.constant 0 : i32
        %dma_wait3A_142 = tpu.memref_slice %arg15[%mul3A_136, %dma_wait3A_141] : memref<10000x128xf32, #tpu.memory_space<vmem_shared>> -> memref<80x128xf32, #tpu.memory_space<vmem_shared>>
        tpu.wait_dma2 semaphore(%run_scoped3A : memref<!tpu.dma_semaphore, #tpu.memory_space<semaphore_mem>>) src(%dma_wait3A_142 : memref<80x128xf32, #tpu.memory_space<vmem_shared>>) dst(%arg11 : memref<80x128xf32, #tpu.memory_space<vmem>>)
        tpu.yield
      }) : () -> ()
      "tpu.region"() ({
        %run_scoped3A = tpu.sem_alloc : memref<!tpu.dma_semaphore, #tpu.memory_space<semaphore_mem>>
        %dma_start3A = arith.constant 0 : i32
        %dma_start3A_137 = arith.constant 0 : i32
        %dma_start3A_138 = tpu.memref_slice %arg6[%arg0, %add3A_117, %dma_start3A, %dma_start3A_137] : memref<2x125x80x128xf32, #tpu.memory_space<hbm>> -> memref<1x1x80x128xf32, #tpu.memory_space<hbm>>
        %dma_start3A_139 = tpu.memref_squeeze %dma_start3A_138 : memref<1x1x80x128xf32, #tpu.memory_space<hbm>> -> memref<80x128xf32, #tpu.memory_space<hbm>>
        %dma_start3A_140 = arith.constant 0 : i32
        %dma_start3A_141 = arith.constant 0 : i32
        %dma_start3A_142 = tpu.memref_slice %arg6[%arg0, %add3A_117, %dma_start3A_140, %dma_start3A_141] : memref<2x125x80x128xf32, #tpu.memory_space<hbm>> -> memref<1x1x80x128xf32, #tpu.memory_space<hbm>>
        %dma_start3A_143 = tpu.memref_squeeze %dma_start3A_142 : memref<1x1x80x128xf32, #tpu.memory_space<hbm>> -> memref<80x128xf32, #tpu.memory_space<hbm>>
        tpu.enqueue_dma source(%arg11 : memref<80x128xf32, #tpu.memory_space<vmem>>) target(%dma_start3A_143 : memref<80x128xf32, #tpu.memory_space<hbm>>) target_semaphore(%run_scoped3A : memref<!tpu.dma_semaphore, #tpu.memory_space<semaphore_mem>>)
        %dma_wait3A = arith.constant 0 : i32
        %dma_wait3A_144 = arith.constant 0 : i32
        %dma_wait3A_145 = tpu.memref_slice %arg6[%arg0, %add3A_117, %dma_wait3A, %dma_wait3A_144] : memref<2x125x80x128xf32, #tpu.memory_space<hbm>> -> memref<1x1x80x128xf32, #tpu.memory_space<hbm>>
        %dma_wait3A_146 = tpu.memref_squeeze %dma_wait3A_145 : memref<1x1x80x128xf32, #tpu.memory_space<hbm>> -> memref<80x128xf32, #tpu.memory_space<hbm>>
        %dma_wait3A_147 = arith.constant 0 : i32
        %dma_wait3A_148 = arith.constant 0 : i32
        %dma_wait3A_149 = tpu.memref_slice %arg6[%arg0, %add3A_117, %dma_wait3A_147, %dma_wait3A_148] : memref<2x125x80x128xf32, #tpu.memory_space<hbm>> -> memref<1x1x80x128xf32, #tpu.memory_space<hbm>>
        %dma_wait3A_150 = tpu.memref_squeeze %dma_wait3A_149 : memref<1x1x80x128xf32, #tpu.memory_space<hbm>> -> memref<80x128xf32, #tpu.memory_space<hbm>>
        tpu.wait_dma2 semaphore(%run_scoped3A : memref<!tpu.dma_semaphore, #tpu.memory_space<semaphore_mem>>) src(%arg11 : memref<80x128xf32, #tpu.memory_space<vmem>>) dst(%dma_wait3A_150 : memref<80x128xf32, #tpu.memory_space<hbm>>)
        tpu.yield
      }) : () -> ()
    } else {
    }
    %add3A_123 = arith.constant 112 : i32
    %add3A_124 = arith.addi %arg1, %add3A_123 : i32
    %lt3A_125 = arith.constant 125 : i32
    %lt3A_126 = arith.cmpi slt, %add3A_124, %lt3A_125 : i32
    %convert_element_type3A_127 = arith.extui %lt3A_126 : i1 to i32
    %cond3A_128 = arith.constant 0 : i32
    %cond3A_129 = arith.cmpi ne, %convert_element_type3A_127, %cond3A_128 : i32
    scf.if %cond3A_129 {
      %mul3A_135 = arith.constant 80 : i32
      %mul3A_136 = arith.muli %add3A_124, %mul3A_135 : i32
      "tpu.region"() ({
        %run_scoped3A = tpu.sem_alloc : memref<!tpu.dma_semaphore, #tpu.memory_space<semaphore_mem>>
        %dma_start3A = arith.constant 0 : i32
        %dma_start3A_137 = tpu.memref_slice %arg15[%mul3A_136, %dma_start3A] : memref<10000x128xf32, #tpu.memory_space<vmem_shared>> -> memref<80x128xf32, #tpu.memory_space<vmem_shared>>
        %dma_start3A_138 = arith.constant 0 : i32
        %dma_start3A_139 = tpu.memref_slice %arg15[%mul3A_136, %dma_start3A_138] : memref<10000x128xf32, #tpu.memory_space<vmem_shared>> -> memref<80x128xf32, #tpu.memory_space<vmem_shared>>
        tpu.enqueue_dma source(%dma_start3A_139 : memref<80x128xf32, #tpu.memory_space<vmem_shared>>) target(%arg11 : memref<80x128xf32, #tpu.memory_space<vmem>>) target_semaphore(%run_scoped3A : memref<!tpu.dma_semaphore, #tpu.memory_space<semaphore_mem>>)
        %dma_wait3A = arith.constant 0 : i32
        %dma_wait3A_140 = tpu.memref_slice %arg15[%mul3A_136, %dma_wait3A] : memref<10000x128xf32, #tpu.memory_space<vmem_shared>> -> memref<80x128xf32, #tpu.memory_space<vmem_shared>>
        %dma_wait3A_141 = arith.constant 0 : i32
        %dma_wait3A_142 = tpu.memref_slice %arg15[%mul3A_136, %dma_wait3A_141] : memref<10000x128xf32, #tpu.memory_space<vmem_shared>> -> memref<80x128xf32, #tpu.memory_space<vmem_shared>>
        tpu.wait_dma2 semaphore(%run_scoped3A : memref<!tpu.dma_semaphore, #tpu.memory_space<semaphore_mem>>) src(%dma_wait3A_142 : memref<80x128xf32, #tpu.memory_space<vmem_shared>>) dst(%arg11 : memref<80x128xf32, #tpu.memory_space<vmem>>)
        tpu.yield
      }) : () -> ()
      "tpu.region"() ({
        %run_scoped3A = tpu.sem_alloc : memref<!tpu.dma_semaphore, #tpu.memory_space<semaphore_mem>>
        %dma_start3A = arith.constant 0 : i32
        %dma_start3A_137 = arith.constant 0 : i32
        %dma_start3A_138 = tpu.memref_slice %arg6[%arg0, %add3A_124, %dma_start3A, %dma_start3A_137] : memref<2x125x80x128xf32, #tpu.memory_space<hbm>> -> memref<1x1x80x128xf32, #tpu.memory_space<hbm>>
        %dma_start3A_139 = tpu.memref_squeeze %dma_start3A_138 : memref<1x1x80x128xf32, #tpu.memory_space<hbm>> -> memref<80x128xf32, #tpu.memory_space<hbm>>
        %dma_start3A_140 = arith.constant 0 : i32
        %dma_start3A_141 = arith.constant 0 : i32
        %dma_start3A_142 = tpu.memref_slice %arg6[%arg0, %add3A_124, %dma_start3A_140, %dma_start3A_141] : memref<2x125x80x128xf32, #tpu.memory_space<hbm>> -> memref<1x1x80x128xf32, #tpu.memory_space<hbm>>
        %dma_start3A_143 = tpu.memref_squeeze %dma_start3A_142 : memref<1x1x80x128xf32, #tpu.memory_space<hbm>> -> memref<80x128xf32, #tpu.memory_space<hbm>>
        tpu.enqueue_dma source(%arg11 : memref<80x128xf32, #tpu.memory_space<vmem>>) target(%dma_start3A_143 : memref<80x128xf32, #tpu.memory_space<hbm>>) target_semaphore(%run_scoped3A : memref<!tpu.dma_semaphore, #tpu.memory_space<semaphore_mem>>)
        %dma_wait3A = arith.constant 0 : i32
        %dma_wait3A_144 = arith.constant 0 : i32
        %dma_wait3A_145 = tpu.memref_slice %arg6[%arg0, %add3A_124, %dma_wait3A, %dma_wait3A_144] : memref<2x125x80x128xf32, #tpu.memory_space<hbm>> -> memref<1x1x80x128xf32, #tpu.memory_space<hbm>>
        %dma_wait3A_146 = tpu.memref_squeeze %dma_wait3A_145 : memref<1x1x80x128xf32, #tpu.memory_space<hbm>> -> memref<80x128xf32, #tpu.memory_space<hbm>>
        %dma_wait3A_147 = arith.constant 0 : i32
        %dma_wait3A_148 = arith.constant 0 : i32
        %dma_wait3A_149 = tpu.memref_slice %arg6[%arg0, %add3A_124, %dma_wait3A_147, %dma_wait3A_148] : memref<2x125x80x128xf32, #tpu.memory_space<hbm>> -> memref<1x1x80x128xf32, #tpu.memory_space<hbm>>
        %dma_wait3A_150 = tpu.memref_squeeze %dma_wait3A_149 : memref<1x1x80x128xf32, #tpu.memory_space<hbm>> -> memref<80x128xf32, #tpu.memory_space<hbm>>
        tpu.wait_dma2 semaphore(%run_scoped3A : memref<!tpu.dma_semaphore, #tpu.memory_space<semaphore_mem>>) src(%arg11 : memref<80x128xf32, #tpu.memory_space<vmem>>) dst(%dma_wait3A_150 : memref<80x128xf32, #tpu.memory_space<hbm>>)
        tpu.yield
      }) : () -> ()
    } else {
    }
    %lt3A_130 = arith.constant 10 : i32
    %lt3A_131 = arith.cmpi slt, %arg1, %lt3A_130 : i32
    %convert_element_type3A_132 = arith.extui %lt3A_131 : i1 to i32
    %cond3A_133 = arith.constant 0 : i32
    %cond3A_134 = arith.cmpi ne, %convert_element_type3A_132, %cond3A_133 : i32
    scf.if %cond3A_134 {
      %mul3A_135 = arith.constant 1000 : i32
      %mul3A_136 = arith.muli %arg1, %mul3A_135 : i32
      "tpu.region"() ({
        %run_scoped3A = tpu.sem_alloc : memref<!tpu.dma_semaphore, #tpu.memory_space<semaphore_mem>>
        %dma_start3A = arith.constant 0 : i32
        %dma_start3A_137 = tpu.memref_slice %arg14[%dma_start3A] : memref<1024xf32, #tpu.memory_space<vmem>> -> memref<1000xf32, #tpu.memory_space<vmem>>
        %dma_start3A_138 = tpu.memref_slice %arg16[%mul3A_136] : memref<10000xf32, #tpu.memory_space<vmem_shared>> -> memref<1000xf32, #tpu.memory_space<vmem_shared>>
        %dma_start3A_139 = arith.constant 0 : i32
        %dma_start3A_140 = tpu.memref_slice %arg14[%dma_start3A_139] : memref<1024xf32, #tpu.memory_space<vmem>> -> memref<1000xf32, #tpu.memory_space<vmem>>
        %dma_start3A_141 = tpu.memref_slice %arg16[%mul3A_136] : memref<10000xf32, #tpu.memory_space<vmem_shared>> -> memref<1000xf32, #tpu.memory_space<vmem_shared>>
        tpu.enqueue_dma source(%dma_start3A_141 : memref<1000xf32, #tpu.memory_space<vmem_shared>>) target(%dma_start3A_140 : memref<1000xf32, #tpu.memory_space<vmem>>) target_semaphore(%run_scoped3A : memref<!tpu.dma_semaphore, #tpu.memory_space<semaphore_mem>>)
        %dma_wait3A = arith.constant 0 : i32
        %dma_wait3A_142 = tpu.memref_slice %arg14[%dma_wait3A] : memref<1024xf32, #tpu.memory_space<vmem>> -> memref<1000xf32, #tpu.memory_space<vmem>>
        %dma_wait3A_143 = tpu.memref_slice %arg16[%mul3A_136] : memref<10000xf32, #tpu.memory_space<vmem_shared>> -> memref<1000xf32, #tpu.memory_space<vmem_shared>>
        %dma_wait3A_144 = arith.constant 0 : i32
        %dma_wait3A_145 = tpu.memref_slice %arg14[%dma_wait3A_144] : memref<1024xf32, #tpu.memory_space<vmem>> -> memref<1000xf32, #tpu.memory_space<vmem>>
        %dma_wait3A_146 = tpu.memref_slice %arg16[%mul3A_136] : memref<10000xf32, #tpu.memory_space<vmem_shared>> -> memref<1000xf32, #tpu.memory_space<vmem_shared>>
        tpu.wait_dma2 semaphore(%run_scoped3A : memref<!tpu.dma_semaphore, #tpu.memory_space<semaphore_mem>>) src(%dma_wait3A_146 : memref<1000xf32, #tpu.memory_space<vmem_shared>>) dst(%dma_wait3A_145 : memref<1000xf32, #tpu.memory_space<vmem>>)
        tpu.yield
      }) : () -> ()
      "tpu.region"() ({
        %run_scoped3A = tpu.sem_alloc : memref<!tpu.dma_semaphore, #tpu.memory_space<semaphore_mem>>
        %dma_start3A = arith.constant 0 : i32
        %dma_start3A_137 = tpu.memref_slice %arg7[%arg0, %arg1, %dma_start3A] : memref<2x10x1024xf32, #tpu.memory_space<hbm>> -> memref<1x1x1024xf32, #tpu.memory_space<hbm>>
        %dma_start3A_138 = tpu.memref_squeeze %dma_start3A_137 : memref<1x1x1024xf32, #tpu.memory_space<hbm>> -> memref<1024xf32, #tpu.memory_space<hbm>>
        %dma_start3A_139 = arith.constant 0 : i32
        %dma_start3A_140 = tpu.memref_slice %arg7[%arg0, %arg1, %dma_start3A_139] : memref<2x10x1024xf32, #tpu.memory_space<hbm>> -> memref<1x1x1024xf32, #tpu.memory_space<hbm>>
        %dma_start3A_141 = tpu.memref_squeeze %dma_start3A_140 : memref<1x1x1024xf32, #tpu.memory_space<hbm>> -> memref<1024xf32, #tpu.memory_space<hbm>>
        tpu.enqueue_dma source(%arg14 : memref<1024xf32, #tpu.memory_space<vmem>>) target(%dma_start3A_141 : memref<1024xf32, #tpu.memory_space<hbm>>) target_semaphore(%run_scoped3A : memref<!tpu.dma_semaphore, #tpu.memory_space<semaphore_mem>>)
        %dma_wait3A = arith.constant 0 : i32
        %dma_wait3A_142 = tpu.memref_slice %arg7[%arg0, %arg1, %dma_wait3A] : memref<2x10x1024xf32, #tpu.memory_space<hbm>> -> memref<1x1x1024xf32, #tpu.memory_space<hbm>>
        %dma_wait3A_143 = tpu.memref_squeeze %dma_wait3A_142 : memref<1x1x1024xf32, #tpu.memory_space<hbm>> -> memref<1024xf32, #tpu.memory_space<hbm>>
        %dma_wait3A_144 = arith.constant 0 : i32
        %dma_wait3A_145 = tpu.memref_slice %arg7[%arg0, %arg1, %dma_wait3A_144] : memref<2x10x1024xf32, #tpu.memory_space<hbm>> -> memref<1x1x1024xf32, #tpu.memory_space<hbm>>
        %dma_wait3A_146 = tpu.memref_squeeze %dma_wait3A_145 : memref<1x1x1024xf32, #tpu.memory_space<hbm>> -> memref<1024xf32, #tpu.memory_space<hbm>>
        tpu.wait_dma2 semaphore(%run_scoped3A : memref<!tpu.dma_semaphore, #tpu.memory_space<semaphore_mem>>) src(%arg14 : memref<1024xf32, #tpu.memory_space<vmem>>) dst(%dma_wait3A_146 : memref<1024xf32, #tpu.memory_space<hbm>>)
        tpu.yield
      }) : () -> ()
    } else {
    }
    return
  }
}

#map = affine_map<(d0, d1) -> (0, 0, 0)>
#map1 = affine_map<(d0, d1) -> (0)>
module attributes {stable_mosaic.version = 14 : i64} {
  func.func @_own_body(%arg0: i32, %arg1: i32, %arg2: memref<32x125x80xi32, #tpu.memory_space<hbm>>, %arg3: memref<32x125x80xi32, #tpu.memory_space<hbm>>, %arg4: memref<100000000xi32, #tpu.memory_space<hbm>>, %arg5: memref<125x80xi32, #tpu.memory_space<vmem>>, %arg6: memref<125x80xi32, #tpu.memory_space<vmem>>, %arg7: memref<125x80xi32, #tpu.memory_space<vmem>>, %arg8: memref<125x80xi32, #tpu.memory_space<vmem>>, %arg9: memref<!tpu.dma_semaphore, #tpu.memory_space<semaphore_mem>>) attributes {dimension_semantics = [#tpu.dimension_semantics<core_parallel>, #tpu.dimension_semantics<subcore_parallel>], iteration_bounds = array<i64: 2, 16>, scalar_prefetch = 0 : i64, scratch_operands = 5 : i64, tpu.core_type = #tpu.core_type<sc_vector_subcore>, window_params = [{transform_indices = #map}, {transform_indices = #map}, {transform_indices = #map1}]} {
    %mul3A = arith.constant 2 : i32
    %mul3A_0 = arith.muli %arg1, %mul3A : i32
    %add3A = arith.addi %mul3A_0, %arg0 : i32
    "tpu.region"() ({
      %run_scoped3A = tpu.sem_alloc : memref<!tpu.dma_semaphore, #tpu.memory_space<semaphore_mem>>
      %dma_start3A = arith.constant 0 : i32
      %dma_start3A_10 = arith.constant 0 : i32
      %dma_start3A_11 = tpu.memref_slice %arg2[%add3A, %dma_start3A, %dma_start3A_10] : memref<32x125x80xi32, #tpu.memory_space<hbm>> -> memref<1x125x80xi32, #tpu.memory_space<hbm>>
      %dma_start3A_12 = tpu.memref_squeeze %dma_start3A_11 : memref<1x125x80xi32, #tpu.memory_space<hbm>> -> memref<125x80xi32, #tpu.memory_space<hbm>>
      %dma_start3A_13 = arith.constant 0 : i32
      %dma_start3A_14 = arith.constant 0 : i32
      %dma_start3A_15 = tpu.memref_slice %arg2[%add3A, %dma_start3A_13, %dma_start3A_14] : memref<32x125x80xi32, #tpu.memory_space<hbm>> -> memref<1x125x80xi32, #tpu.memory_space<hbm>>
      %dma_start3A_16 = tpu.memref_squeeze %dma_start3A_15 : memref<1x125x80xi32, #tpu.memory_space<hbm>> -> memref<125x80xi32, #tpu.memory_space<hbm>>
      tpu.enqueue_dma source(%dma_start3A_16 : memref<125x80xi32, #tpu.memory_space<hbm>>) target(%arg5 : memref<125x80xi32, #tpu.memory_space<vmem>>) target_semaphore(%run_scoped3A : memref<!tpu.dma_semaphore, #tpu.memory_space<semaphore_mem>>)
      %dma_wait3A = arith.constant 0 : i32
      %dma_wait3A_17 = arith.constant 0 : i32
      %dma_wait3A_18 = tpu.memref_slice %arg2[%add3A, %dma_wait3A, %dma_wait3A_17] : memref<32x125x80xi32, #tpu.memory_space<hbm>> -> memref<1x125x80xi32, #tpu.memory_space<hbm>>
      %dma_wait3A_19 = tpu.memref_squeeze %dma_wait3A_18 : memref<1x125x80xi32, #tpu.memory_space<hbm>> -> memref<125x80xi32, #tpu.memory_space<hbm>>
      %dma_wait3A_20 = arith.constant 0 : i32
      %dma_wait3A_21 = arith.constant 0 : i32
      %dma_wait3A_22 = tpu.memref_slice %arg2[%add3A, %dma_wait3A_20, %dma_wait3A_21] : memref<32x125x80xi32, #tpu.memory_space<hbm>> -> memref<1x125x80xi32, #tpu.memory_space<hbm>>
      %dma_wait3A_23 = tpu.memref_squeeze %dma_wait3A_22 : memref<1x125x80xi32, #tpu.memory_space<hbm>> -> memref<125x80xi32, #tpu.memory_space<hbm>>
      tpu.wait_dma2 semaphore(%run_scoped3A : memref<!tpu.dma_semaphore, #tpu.memory_space<semaphore_mem>>) src(%dma_wait3A_23 : memref<125x80xi32, #tpu.memory_space<hbm>>) dst(%arg5 : memref<125x80xi32, #tpu.memory_space<vmem>>)
      tpu.yield
    }) : () -> ()
    "tpu.region"() ({
      %run_scoped3A = tpu.sem_alloc : memref<!tpu.dma_semaphore, #tpu.memory_space<semaphore_mem>>
      %dma_start3A = arith.constant 0 : i32
      %dma_start3A_10 = arith.constant 0 : i32
      %dma_start3A_11 = tpu.memref_slice %arg3[%add3A, %dma_start3A, %dma_start3A_10] : memref<32x125x80xi32, #tpu.memory_space<hbm>> -> memref<1x125x80xi32, #tpu.memory_space<hbm>>
      %dma_start3A_12 = tpu.memref_squeeze %dma_start3A_11 : memref<1x125x80xi32, #tpu.memory_space<hbm>> -> memref<125x80xi32, #tpu.memory_space<hbm>>
      %dma_start3A_13 = arith.constant 0 : i32
      %dma_start3A_14 = arith.constant 0 : i32
      %dma_start3A_15 = tpu.memref_slice %arg3[%add3A, %dma_start3A_13, %dma_start3A_14] : memref<32x125x80xi32, #tpu.memory_space<hbm>> -> memref<1x125x80xi32, #tpu.memory_space<hbm>>
      %dma_start3A_16 = tpu.memref_squeeze %dma_start3A_15 : memref<1x125x80xi32, #tpu.memory_space<hbm>> -> memref<125x80xi32, #tpu.memory_space<hbm>>
      tpu.enqueue_dma source(%dma_start3A_16 : memref<125x80xi32, #tpu.memory_space<hbm>>) target(%arg6 : memref<125x80xi32, #tpu.memory_space<vmem>>) target_semaphore(%run_scoped3A : memref<!tpu.dma_semaphore, #tpu.memory_space<semaphore_mem>>)
      %dma_wait3A = arith.constant 0 : i32
      %dma_wait3A_17 = arith.constant 0 : i32
      %dma_wait3A_18 = tpu.memref_slice %arg3[%add3A, %dma_wait3A, %dma_wait3A_17] : memref<32x125x80xi32, #tpu.memory_space<hbm>> -> memref<1x125x80xi32, #tpu.memory_space<hbm>>
      %dma_wait3A_19 = tpu.memref_squeeze %dma_wait3A_18 : memref<1x125x80xi32, #tpu.memory_space<hbm>> -> memref<125x80xi32, #tpu.memory_space<hbm>>
      %dma_wait3A_20 = arith.constant 0 : i32
      %dma_wait3A_21 = arith.constant 0 : i32
      %dma_wait3A_22 = tpu.memref_slice %arg3[%add3A, %dma_wait3A_20, %dma_wait3A_21] : memref<32x125x80xi32, #tpu.memory_space<hbm>> -> memref<1x125x80xi32, #tpu.memory_space<hbm>>
      %dma_wait3A_23 = tpu.memref_squeeze %dma_wait3A_22 : memref<1x125x80xi32, #tpu.memory_space<hbm>> -> memref<125x80xi32, #tpu.memory_space<hbm>>
      tpu.wait_dma2 semaphore(%run_scoped3A : memref<!tpu.dma_semaphore, #tpu.memory_space<semaphore_mem>>) src(%dma_wait3A_23 : memref<125x80xi32, #tpu.memory_space<hbm>>) dst(%arg6 : memref<125x80xi32, #tpu.memory_space<vmem>>)
      tpu.yield
    }) : () -> ()
    %iota3A = tpu.iota {dimensions = array<i32: 0>} : vector<16xi32>
    %scan3A = arith.constant 0 : i32
    %scan3A_1 = arith.constant 125 : i32
    %scan3A_2 = arith.addi %scan3A, %scan3A_1 : i32
    %scan3A_3 = arith.constant 1 : i32
    scf.for %scan3A_10 = %scan3A to %scan3A_2 step %scan3A_3  : i32 {
      %mul3A_11 = arith.constant 1 : i32
      %mul3A_12 = arith.muli %scan3A_10, %mul3A_11 : i32
      %add3A_13 = arith.constant 0 : i32
      %add3A_14 = arith.addi %add3A_13, %mul3A_12 : i32
      %get3A = arith.index_cast %add3A_14 : i32 to index
      %get3A_15 = arith.constant 0 : index
      %get3A_16 = tpu.vector_load %arg6[%get3A, %get3A_15] {strides = array<i32>} : memref<125x80xi32, #tpu.memory_space<vmem>>, vector<16xi32>,
      %mul3A_17 = arith.constant 10000 : i32
      %mul3A_18 = vector.broadcast %mul3A_17 : i32 to vector<16xi32>
      %mul3A_19 = arith.muli %get3A_16, %mul3A_18 : vector<16xi32>
      %get3A_20 = arith.index_cast %add3A_14 : i32 to index
      %get3A_21 = arith.constant 0 : index
      %get3A_22 = tpu.vector_load %arg5[%get3A_20, %get3A_21] {strides = array<i32>} : memref<125x80xi32, #tpu.memory_space<vmem>>, vector<16xi32>,
      %add3A_23 = arith.addi %mul3A_19, %get3A_22 : vector<16xi32>
      %swap3A = arith.index_cast %add3A_14 : i32 to index
      %swap3A_24 = arith.constant 0 : index
      %swap3A_25 = tpu.vector_load %arg7[%swap3A, %swap3A_24] {strides = array<i32>} : memref<125x80xi32, #tpu.memory_space<vmem>>, vector<16xi32>,
      tpu.vector_store %arg7[%swap3A, %swap3A_24], %add3A_23 {strides = array<i32>} : memref<125x80xi32, #tpu.memory_space<vmem>>, vector<16xi32>,
      %mul3A_26 = arith.constant 10000 : i32
      %mul3A_27 = arith.muli %add3A, %mul3A_26 : i32
      %mul3A_28 = arith.constant 80 : i32
      %mul3A_29 = arith.muli %add3A_14, %mul3A_28 : i32
      %add3A_30 = arith.addi %mul3A_27, %mul3A_29 : i32
      %add3A_31 = arith.constant 0 : i32
      %add3A_32 = arith.addi %add3A_30, %add3A_31 : i32
      %add3A_33 = vector.broadcast %add3A_32 : i32 to vector<16xi32>
      %add3A_34 = arith.addi %iota3A, %add3A_33 : vector<16xi32>
      %swap3A_35 = arith.index_cast %add3A_14 : i32 to index
      %swap3A_36 = arith.constant 0 : index
      %swap3A_37 = tpu.vector_load %arg8[%swap3A_35, %swap3A_36] {strides = array<i32>} : memref<125x80xi32, #tpu.memory_space<vmem>>, vector<16xi32>,
      tpu.vector_store %arg8[%swap3A_35, %swap3A_36], %add3A_34 {strides = array<i32>} : memref<125x80xi32, #tpu.memory_space<vmem>>, vector<16xi32>,
      %get3A_38 = arith.index_cast %add3A_14 : i32 to index
      %get3A_39 = arith.constant 16 : index
      %get3A_40 = tpu.vector_load %arg6[%get3A_38, %get3A_39] {strides = array<i32>} : memref<125x80xi32, #tpu.memory_space<vmem>>, vector<16xi32>,
      %mul3A_41 = arith.constant 10000 : i32
      %mul3A_42 = vector.broadcast %mul3A_41 : i32 to vector<16xi32>
      %mul3A_43 = arith.muli %get3A_40, %mul3A_42 : vector<16xi32>
      %get3A_44 = arith.index_cast %add3A_14 : i32 to index
      %get3A_45 = arith.constant 16 : index
      %get3A_46 = tpu.vector_load %arg5[%get3A_44, %get3A_45] {strides = array<i32>} : memref<125x80xi32, #tpu.memory_space<vmem>>, vector<16xi32>,
      %add3A_47 = arith.addi %mul3A_43, %get3A_46 : vector<16xi32>
      %swap3A_48 = arith.index_cast %add3A_14 : i32 to index
      %swap3A_49 = arith.constant 16 : index
      %swap3A_50 = tpu.vector_load %arg7[%swap3A_48, %swap3A_49] {strides = array<i32>} : memref<125x80xi32, #tpu.memory_space<vmem>>, vector<16xi32>,
      tpu.vector_store %arg7[%swap3A_48, %swap3A_49], %add3A_47 {strides = array<i32>} : memref<125x80xi32, #tpu.memory_space<vmem>>, vector<16xi32>,
      %mul3A_51 = arith.constant 10000 : i32
      %mul3A_52 = arith.muli %add3A, %mul3A_51 : i32
      %mul3A_53 = arith.constant 80 : i32
      %mul3A_54 = arith.muli %add3A_14, %mul3A_53 : i32
      %add3A_55 = arith.addi %mul3A_52, %mul3A_54 : i32
      %add3A_56 = arith.constant 16 : i32
      %add3A_57 = arith.addi %add3A_55, %add3A_56 : i32
      %add3A_58 = vector.broadcast %add3A_57 : i32 to vector<16xi32>
      %add3A_59 = arith.addi %iota3A, %add3A_58 : vector<16xi32>
      %swap3A_60 = arith.index_cast %add3A_14 : i32 to index
      %swap3A_61 = arith.constant 16 : index
      %swap3A_62 = tpu.vector_load %arg8[%swap3A_60, %swap3A_61] {strides = array<i32>} : memref<125x80xi32, #tpu.memory_space<vmem>>, vector<16xi32>,
      tpu.vector_store %arg8[%swap3A_60, %swap3A_61], %add3A_59 {strides = array<i32>} : memref<125x80xi32, #tpu.memory_space<vmem>>, vector<16xi32>,
      %get3A_63 = arith.index_cast %add3A_14 : i32 to index
      %get3A_64 = arith.constant 32 : index
      %get3A_65 = tpu.vector_load %arg6[%get3A_63, %get3A_64] {strides = array<i32>} : memref<125x80xi32, #tpu.memory_space<vmem>>, vector<16xi32>,
      %mul3A_66 = arith.constant 10000 : i32
      %mul3A_67 = vector.broadcast %mul3A_66 : i32 to vector<16xi32>
      %mul3A_68 = arith.muli %get3A_65, %mul3A_67 : vector<16xi32>
      %get3A_69 = arith.index_cast %add3A_14 : i32 to index
      %get3A_70 = arith.constant 32 : index
      %get3A_71 = tpu.vector_load %arg5[%get3A_69, %get3A_70] {strides = array<i32>} : memref<125x80xi32, #tpu.memory_space<vmem>>, vector<16xi32>,
      %add3A_72 = arith.addi %mul3A_68, %get3A_71 : vector<16xi32>
      %swap3A_73 = arith.index_cast %add3A_14 : i32 to index
      %swap3A_74 = arith.constant 32 : index
      %swap3A_75 = tpu.vector_load %arg7[%swap3A_73, %swap3A_74] {strides = array<i32>} : memref<125x80xi32, #tpu.memory_space<vmem>>, vector<16xi32>,
      tpu.vector_store %arg7[%swap3A_73, %swap3A_74], %add3A_72 {strides = array<i32>} : memref<125x80xi32, #tpu.memory_space<vmem>>, vector<16xi32>,
      %mul3A_76 = arith.constant 10000 : i32
      %mul3A_77 = arith.muli %add3A, %mul3A_76 : i32
      %mul3A_78 = arith.constant 80 : i32
      %mul3A_79 = arith.muli %add3A_14, %mul3A_78 : i32
      %add3A_80 = arith.addi %mul3A_77, %mul3A_79 : i32
      %add3A_81 = arith.constant 32 : i32
      %add3A_82 = arith.addi %add3A_80, %add3A_81 : i32
      %add3A_83 = vector.broadcast %add3A_82 : i32 to vector<16xi32>
      %add3A_84 = arith.addi %iota3A, %add3A_83 : vector<16xi32>
      %swap3A_85 = arith.index_cast %add3A_14 : i32 to index
      %swap3A_86 = arith.constant 32 : index
      %swap3A_87 = tpu.vector_load %arg8[%swap3A_85, %swap3A_86] {strides = array<i32>} : memref<125x80xi32, #tpu.memory_space<vmem>>, vector<16xi32>,
      tpu.vector_store %arg8[%swap3A_85, %swap3A_86], %add3A_84 {strides = array<i32>} : memref<125x80xi32, #tpu.memory_space<vmem>>, vector<16xi32>,
      %get3A_88 = arith.index_cast %add3A_14 : i32 to index
      %get3A_89 = arith.constant 48 : index
      %get3A_90 = tpu.vector_load %arg6[%get3A_88, %get3A_89] {strides = array<i32>} : memref<125x80xi32, #tpu.memory_space<vmem>>, vector<16xi32>,
      %mul3A_91 = arith.constant 10000 : i32
      %mul3A_92 = vector.broadcast %mul3A_91 : i32 to vector<16xi32>
      %mul3A_93 = arith.muli %get3A_90, %mul3A_92 : vector<16xi32>
      %get3A_94 = arith.index_cast %add3A_14 : i32 to index
      %get3A_95 = arith.constant 48 : index
      %get3A_96 = tpu.vector_load %arg5[%get3A_94, %get3A_95] {strides = array<i32>} : memref<125x80xi32, #tpu.memory_space<vmem>>, vector<16xi32>,
      %add3A_97 = arith.addi %mul3A_93, %get3A_96 : vector<16xi32>
      %swap3A_98 = arith.index_cast %add3A_14 : i32 to index
      %swap3A_99 = arith.constant 48 : index
      %swap3A_100 = tpu.vector_load %arg7[%swap3A_98, %swap3A_99] {strides = array<i32>} : memref<125x80xi32, #tpu.memory_space<vmem>>, vector<16xi32>,
      tpu.vector_store %arg7[%swap3A_98, %swap3A_99], %add3A_97 {strides = array<i32>} : memref<125x80xi32, #tpu.memory_space<vmem>>, vector<16xi32>,
      %mul3A_101 = arith.constant 10000 : i32
      %mul3A_102 = arith.muli %add3A, %mul3A_101 : i32
      %mul3A_103 = arith.constant 80 : i32
      %mul3A_104 = arith.muli %add3A_14, %mul3A_103 : i32
      %add3A_105 = arith.addi %mul3A_102, %mul3A_104 : i32
      %add3A_106 = arith.constant 48 : i32
      %add3A_107 = arith.addi %add3A_105, %add3A_106 : i32
      %add3A_108 = vector.broadcast %add3A_107 : i32 to vector<16xi32>
      %add3A_109 = arith.addi %iota3A, %add3A_108 : vector<16xi32>
      %swap3A_110 = arith.index_cast %add3A_14 : i32 to index
      %swap3A_111 = arith.constant 48 : index
      %swap3A_112 = tpu.vector_load %arg8[%swap3A_110, %swap3A_111] {strides = array<i32>} : memref<125x80xi32, #tpu.memory_space<vmem>>, vector<16xi32>,
      tpu.vector_store %arg8[%swap3A_110, %swap3A_111], %add3A_109 {strides = array<i32>} : memref<125x80xi32, #tpu.memory_space<vmem>>, vector<16xi32>,
      %get3A_113 = arith.index_cast %add3A_14 : i32 to index
      %get3A_114 = arith.constant 64 : index
      %get3A_115 = tpu.vector_load %arg6[%get3A_113, %get3A_114] {strides = array<i32>} : memref<125x80xi32, #tpu.memory_space<vmem>>, vector<16xi32>,
      %mul3A_116 = arith.constant 10000 : i32
      %mul3A_117 = vector.broadcast %mul3A_116 : i32 to vector<16xi32>
      %mul3A_118 = arith.muli %get3A_115, %mul3A_117 : vector<16xi32>
      %get3A_119 = arith.index_cast %add3A_14 : i32 to index
      %get3A_120 = arith.constant 64 : index
      %get3A_121 = tpu.vector_load %arg5[%get3A_119, %get3A_120] {strides = array<i32>} : memref<125x80xi32, #tpu.memory_space<vmem>>, vector<16xi32>,
      %add3A_122 = arith.addi %mul3A_118, %get3A_121 : vector<16xi32>
      %swap3A_123 = arith.index_cast %add3A_14 : i32 to index
      %swap3A_124 = arith.constant 64 : index
      %swap3A_125 = tpu.vector_load %arg7[%swap3A_123, %swap3A_124] {strides = array<i32>} : memref<125x80xi32, #tpu.memory_space<vmem>>, vector<16xi32>,
      tpu.vector_store %arg7[%swap3A_123, %swap3A_124], %add3A_122 {strides = array<i32>} : memref<125x80xi32, #tpu.memory_space<vmem>>, vector<16xi32>,
      %mul3A_126 = arith.constant 10000 : i32
      %mul3A_127 = arith.muli %add3A, %mul3A_126 : i32
      %mul3A_128 = arith.constant 80 : i32
      %mul3A_129 = arith.muli %add3A_14, %mul3A_128 : i32
      %add3A_130 = arith.addi %mul3A_127, %mul3A_129 : i32
      %add3A_131 = arith.constant 64 : i32
      %add3A_132 = arith.addi %add3A_130, %add3A_131 : i32
      %add3A_133 = vector.broadcast %add3A_132 : i32 to vector<16xi32>
      %add3A_134 = arith.addi %iota3A, %add3A_133 : vector<16xi32>
      %swap3A_135 = arith.index_cast %add3A_14 : i32 to index
      %swap3A_136 = arith.constant 64 : index
      %swap3A_137 = tpu.vector_load %arg8[%swap3A_135, %swap3A_136] {strides = array<i32>} : memref<125x80xi32, #tpu.memory_space<vmem>>, vector<16xi32>,
      tpu.vector_store %arg8[%swap3A_135, %swap3A_136], %add3A_134 {strides = array<i32>} : memref<125x80xi32, #tpu.memory_space<vmem>>, vector<16xi32>,
    }
    %scan3A_4 = arith.constant 125 : i32
    %scan3A_5 = arith.constant 0 : i32
    %scan3A_6 = arith.constant 125 : i32
    %scan3A_7 = arith.addi %scan3A_5, %scan3A_6 : i32
    %scan3A_8 = arith.constant 1 : i32
    scf.for %scan3A_10 = %scan3A_5 to %scan3A_7 step %scan3A_8  : i32 {
      %mul3A_11 = arith.constant 1 : i32
      %mul3A_12 = arith.muli %scan3A_10, %mul3A_11 : i32
      %add3A_13 = arith.constant 0 : i32
      %add3A_14 = arith.addi %add3A_13, %mul3A_12 : i32
      %dma_start3A = arith.constant 0 : i32
      %dma_start3A_15 = tpu.memref_slice %arg8[%add3A_14, %dma_start3A] : memref<125x80xi32, #tpu.memory_space<vmem>> -> memref<1x80xi32, #tpu.memory_space<vmem>>
      %dma_start3A_16 = tpu.memref_squeeze %dma_start3A_15 : memref<1x80xi32, #tpu.memory_space<vmem>> -> memref<80xi32, #tpu.memory_space<vmem>>
      %dma_start3A_17 = arith.constant 0 : i32
      %dma_start3A_18 = tpu.memref_slice %arg7[%add3A_14, %dma_start3A_17] : memref<125x80xi32, #tpu.memory_space<vmem>> -> memref<1x80xi32, #tpu.memory_space<vmem>>
      %dma_start3A_19 = tpu.memref_squeeze %dma_start3A_18 : memref<1x80xi32, #tpu.memory_space<vmem>> -> memref<80xi32, #tpu.memory_space<vmem>>
      %dma_start3A_20 = arith.constant 0 : i32
      %dma_start3A_21 = tpu.memref_slice %arg4[%dma_start3A_20] : memref<100000000xi32, #tpu.memory_space<hbm>> -> memref<100000000xi32, #tpu.memory_space<hbm>>
      tpu.enqueue_indirect_dma source(%dma_start3A_16 : memref<80xi32, #tpu.memory_space<vmem>>) target(%dma_start3A_21 : memref<100000000xi32, #tpu.memory_space<hbm>>) offsets(%dma_start3A_19 : memref<80xi32, #tpu.memory_space<vmem>>) semaphore(%arg9 : memref<!tpu.dma_semaphore, #tpu.memory_space<semaphore_mem>>)
      %dma_wait3A = arith.constant 0 : i32
      %dma_wait3A_22 = tpu.memref_slice %arg8[%add3A_14, %dma_wait3A] : memref<125x80xi32, #tpu.memory_space<vmem>> -> memref<1x80xi32, #tpu.memory_space<vmem>>
      %dma_wait3A_23 = tpu.memref_squeeze %dma_wait3A_22 : memref<1x80xi32, #tpu.memory_space<vmem>> -> memref<80xi32, #tpu.memory_space<vmem>>
      %dma_wait3A_24 = arith.constant 0 : i32
      %dma_wait3A_25 = tpu.memref_slice %arg7[%add3A_14, %dma_wait3A_24] : memref<125x80xi32, #tpu.memory_space<vmem>> -> memref<1x80xi32, #tpu.memory_space<vmem>>
      %dma_wait3A_26 = tpu.memref_squeeze %dma_wait3A_25 : memref<1x80xi32, #tpu.memory_space<vmem>> -> memref<80xi32, #tpu.memory_space<vmem>>
      %dma_wait3A_27 = arith.constant 0 : i32
      %dma_wait3A_28 = tpu.memref_slice %arg4[%dma_wait3A_27] : memref<100000000xi32, #tpu.memory_space<hbm>> -> memref<100000000xi32, #tpu.memory_space<hbm>>
      tpu.wait_indirect_dma semaphore(%arg9 : memref<!tpu.dma_semaphore, #tpu.memory_space<semaphore_mem>>) src(%dma_wait3A_23 : memref<80xi32, #tpu.memory_space<vmem>>) dst(%dma_wait3A_28 : memref<100000000xi32, #tpu.memory_space<hbm>>)
    }
    %scan3A_9 = arith.constant 125 : i32
    return
  }
}

module attributes {stable_mosaic.version = 14 : i64} {
  func.func @_scores_body(%arg0: memref<10000x128xf32, #tpu.memory_space<vmem>>, %arg1: memref<128x1xf32, #tpu.memory_space<vmem>>, %arg2: memref<1x1xf32, #tpu.memory_space<vmem>>, %arg3: memref<10000x1xf32, #tpu.memory_space<vmem>>) attributes {dimension_semantics = [], scalar_prefetch = 0 : i64, scratch_operands = 0 : i64, tpu.core_type = #tpu.core_type<tc>} {
    %get3A = arith.constant 0 : index
    %get3A_0 = arith.constant 0 : index
    %get3A_1 = vector.load %arg0[%get3A, %get3A_0] : memref<10000x128xf32, #tpu.memory_space<vmem>>, vector<10000x128xf32>
    %get3A_2 = arith.constant 0 : index
    %get3A_3 = arith.constant 0 : index
    %get3A_4 = vector.load %arg1[%get3A_2, %get3A_3] : memref<128x1xf32, #tpu.memory_space<vmem>>, vector<128x1xf32>
    %dot_general3A = arith.constant dense<0.000000e+00> : vector<10000x1xf32>
    %dot_general3A_5 = tpu.matmul %get3A_1, %get3A_4, %dot_general3A {dimension_numbers = #tpu.dot_dimension_numbers<[1], [0], [0], [1], [0, 0, 1, 1], [], []>, transpose_lhs_hint = false} : vector<10000x128xf32>, vector<128x1xf32>, vector<10000x1xf32> -> vector<10000x1xf32>
    %get3A_6 = arith.constant 0 : index
    %get3A_7 = arith.constant 0 : index
    %get3A_8 = vector.load %arg2[%get3A_6, %get3A_7] : memref<1x1xf32, #tpu.memory_space<vmem>>, vector<1x1xf32>
    %get3A_9 = vector.extract %get3A_8[0, 0] : f32 from vector<1x1xf32>
    %add3A = vector.broadcast %get3A_9 : f32 to vector<10000x1xf32>
    %add3A_10 = arith.addf %dot_general3A_5, %add3A : vector<10000x1xf32>
    %reduce_max3A = vector.shape_cast %add3A_10 : vector<10000x1xf32> to vector<1x10000x1xf32>
    %reduce_max3A_11 = arith.constant dense<0xFF800000> : vector<1xf32>
    %reduce_max3A_12 = vector.multi_reduction <maximumf>, %reduce_max3A, %reduce_max3A_11 [1, 2] : vector<1x10000x1xf32> to vector<1xf32>
    %reduce_max3A_13 = vector.shape_cast %reduce_max3A_12 : vector<1xf32> to vector<1x1x1xf32>
    %reduce_max3A_14 = vector.extract %reduce_max3A_13[0, 0, 0] : f32 from vector<1x1x1xf32>
    %sub3A = vector.broadcast %reduce_max3A_14 : f32 to vector<10000x1xf32>
    %sub3A_15 = arith.subf %add3A_10, %sub3A : vector<10000x1xf32>
    %exp3A = math.exp %sub3A_15 : vector<10000x1xf32>
    %swap3A = arith.constant 0 : index
    %swap3A_16 = arith.constant 0 : index
    %swap3A_17 = vector.load %arg3[%swap3A, %swap3A_16] : memref<10000x1xf32, #tpu.memory_space<vmem>>, vector<10000x1xf32>
    tpu.vector_store %arg3[%swap3A, %swap3A_16], %exp3A {strides = array<i32>} : memref<10000x1xf32, #tpu.memory_space<vmem>>, vector<10000x1xf32>,
    return
  }
}

module attributes {stable_mosaic.version = 14 : i64} {
  func.func @_final_body(%arg0: i32, %arg1: memref<1000x128xf32, #tpu.memory_space<vmem>>, %arg2: memref<2x1000x128xf32, #tpu.memory_space<vmem>>, %arg3: memref<1000x1xf32, #tpu.memory_space<vmem>>, %arg4: memref<1000x1xf32, #tpu.memory_space<vmem>>, %arg5: memref<1000x256xf32, #tpu.memory_space<vmem>>) attributes {dimension_semantics = [#tpu.dimension_semantics<arbitrary>], iteration_bounds = array<i64: 10>, scalar_prefetch = 0 : i64, scratch_operands = 0 : i64, tpu.core_type = #tpu.core_type<tc>, window_params = [{transform_indices = @transform_0, window_bounds = array<i64: 1000, 128>}, {transform_indices = @transform_1, window_bounds = array<i64: 2, 1000, 128>}, {transform_indices = @transform_2, window_bounds = array<i64: 1000, 1>}, {transform_indices = @transform_3, window_bounds = array<i64: 1000, 1>}, {transform_indices = @transform_4, window_bounds = array<i64: 1000, 256>}]} {
    %get3A = arith.constant 0 : index
    %get3A_0 = arith.constant 0 : index
    %get3A_1 = vector.load %arg3[%get3A, %get3A_0] : memref<1000x1xf32, #tpu.memory_space<vmem>>, vector<1000x1xf32>
    %get3A_2 = arith.constant 0 : index
    %get3A_3 = arith.constant 0 : index
    %get3A_4 = vector.load %arg4[%get3A_2, %get3A_3] : memref<1000x1xf32, #tpu.memory_space<vmem>>, vector<1000x1xf32>
    %add3A = arith.addf %get3A_1, %get3A_4 : vector<1000x1xf32>
    %max3A = arith.constant 1.000000e-16 : f32
    %max3A_5 = vector.broadcast %max3A : f32 to vector<1000x1xf32>
    %max3A_6 = arith.maximumf %add3A, %max3A_5 : vector<1000x1xf32>
    %get3A_7 = arith.constant 0 : index
    %get3A_8 = arith.constant 0 : index
    %get3A_9 = arith.constant 0 : index
    %get3A_10 = vector.load %arg2[%get3A_7, %get3A_8, %get3A_9] : memref<2x1000x128xf32, #tpu.memory_space<vmem>>, vector<1x1000x128xf32>
    %get3A_11 = vector.shape_cast %get3A_10 : vector<1x1000x128xf32> to vector<1000x128xf32>
    %get3A_12 = arith.constant 1 : index
    %get3A_13 = arith.constant 0 : index
    %get3A_14 = arith.constant 0 : index
    %get3A_15 = vector.load %arg2[%get3A_12, %get3A_13, %get3A_14] : memref<2x1000x128xf32, #tpu.memory_space<vmem>>, vector<1x1000x128xf32>
    %get3A_16 = vector.shape_cast %get3A_15 : vector<1x1000x128xf32> to vector<1000x128xf32>
    %add3A_17 = arith.addf %get3A_11, %get3A_16 : vector<1000x128xf32>
    %div3A = vector.broadcast %max3A_6 : vector<1000x1xf32> to vector<1000x128xf32>
    %div3A_18 = arith.divf %add3A_17, %div3A : vector<1000x128xf32>
    %get3A_19 = arith.constant 0 : index
    %get3A_20 = arith.constant 0 : index
    %get3A_21 = vector.load %arg1[%get3A_19, %get3A_20] : memref<1000x128xf32, #tpu.memory_space<vmem>>, vector<1000x128xf32>
    %concatenate3A = tpu.concatenate %get3A_21, %div3A_18 in 1 : vector<1000x128xf32>, vector<1000x128xf32> -> vector<1000x256xf32>
    %swap3A = arith.constant 0 : index
    %swap3A_22 = arith.constant 0 : index
    %swap3A_23 = vector.load %arg5[%swap3A, %swap3A_22] : memref<1000x256xf32, #tpu.memory_space<vmem>>, vector<1000x256xf32>
    tpu.vector_store %arg5[%swap3A, %swap3A_22], %concatenate3A {strides = array<i32>} : memref<1000x256xf32, #tpu.memory_space<vmem>>, vector<1000x256xf32>,
    return
  }
  func.func @transform_0(%arg0: i32) -> (i32, i32) {
    %c0_i32 = arith.constant 0 : i32
    %c0_i32_0 = arith.constant 0 : i32
    return %arg0, %c0_i32 : i32, i32
  }
  func.func @transform_1(%arg0: i32) -> (i32, i32, i32) {
    %c0_i32 = arith.constant 0 : i32
    %c0_i32_0 = arith.constant 0 : i32
    %c0_i32_1 = arith.constant 0 : i32
    return %c0_i32, %arg0, %c0_i32_0 : i32, i32, i32
  }
  func.func @transform_2(%arg0: i32) -> (i32, i32) {
    %c0_i32 = arith.constant 0 : i32
    %c0_i32_0 = arith.constant 0 : i32
    return %arg0, %c0_i32 : i32, i32
  }
  func.func @transform_3(%arg0: i32) -> (i32, i32) {
    %c0_i32 = arith.constant 0 : i32
    %c0_i32_0 = arith.constant 0 : i32
    return %arg0, %c0_i32 : i32, i32
  }
  func.func @transform_4(%arg0: i32) -> (i32, i32) {
    %c0_i32 = arith.constant 0 : i32
    %c0_i32_0 = arith.constant 0 : i32
    return %arg0, %c0_i32 : i32, i32
  }
}

</mosaic_0001>

<sc_bundles>
// kernel: kernel.6.cloned.1.call-start
scs
__scs_entry_jumppad:
0x0: {  	(pc) =	sbr.rel $0x88, $3  }
0x1: {  	(tag) =	ssettag $0x0;
	lr =	simm.s32 $0x1  }
0x2: {  	[smem:$0x3F9D] =	sst lr;
	_ =	strace $0xD0000000  }
0x3: {  	_ = 	snop  }
0x4: {  	_ = 	snop  }
0x5: {  	_ = 	snop  }
0x6: {  	_ = 	snop  }
0x7: {  	_ = 	snop  }
__scs_overlays_trampoline_lowered:
0x8: {  	[smem:$0x3FAC] =	sst s0  }
0x9: {  	[smem:$0x3FAD] =	sst s1  }
0xa: {  	[smem:$0x3FAE] =	sst s2  }
0xb: {  	[smem:$0x3FAF] =	sst s3  }
0xc: {  	[smem:$0x3FB0] =	sst s4  }
0xd: {  	[smem:$0x3FB1] =	sst s5  }
0xe: {  	[smem:$0x3FB2] =	sst s6  }
0xf: {  	[smem:$0x3FB3] =	sst s7  }
0x10: {  	[smem:$0x3FB4] =	sst s8  }
0x11: {  	[smem:$0x3FB5] =	sst s9;
	s0 =	simm.s32 @!p0 $0x0  }
0x12: {  	s1 =	sld [smem:$0x3F9B];
	s0 =	simm.s32 @p0 $0x1  }
0x13: {  	[smem:$0x3FB6] =	sst s0;
	s0 =	simm.s32 @!p1 $0x0  }
0x14: {  	s2 =	sld [smem:$0x3F9A];
	s0 =	simm.s32 @p1 $0x1  }
0x15: {  	[smem:$0x3FB7] =	sst s0;
	s0 =	simm.s32 @!p2 $0x0  }
0x16: {  	s3 =	sld [smem:$0x3FDB];
	s0 =	simm.s32 @p2 $0x1  }
0x17: {  	s4 =	simm.s32 $0x1BF5;
	[smem:$0x3FB9] =	sst s0  }
0x18: {  	s0 =	sld [smem:$0x3F9C];
	_ =	swait.ge [sflag:s4], $0x0  }
0x19: {  	s7 =	sld [smem:$0x3F9D]  }
0x1a: {  	s8 =	sadd.s32 $0xFFFFE003, lr  }
0x1b: {  	s9 =	sadd.s32 $0xFFFFFEF7, lr;
	s5 =	simm.s32 $0xFFFFFFFF;
	p2 =	slt.u32 s8, $0xFFFFF086  }
0x1c: {  	p1 =	slt.u32 s9, $0xF7A;
	s5 =	simm.s32 @!p2 $0x0  }
0x1d: {  	s5 =	simm.s32 @p1 $0x1;
	p0 =	seq.s32 s7, s2  }
0x1e: {  	s7 =	smul.u32 @!p0 $0xF7A, s2;
	p2 =	seq.s32 @!p0 s5, $0x0  }
0x1f: {  	s9 =	smul.u32 $0xF7A, s1;
	s8 =	simm.s32 @!p0 $0x1BF5;
	p2 =	por !p2, p0  }
0x20: {  	[sflag:s8] =	ssyncset.s32 @!p0 $0xFFFFF086;
	s6 =	sadd.s32 @!p0 s3, s7;
	s7 =	simm.s32 @!p0 $0x108  }
0x21: {  	s3 =	sadd.s32 s3, s9;
	s6 =	sadd.s32 @!p0 $0x88, s6;
	s7 =	simm.s32 @p2 $0x1082  }
0x22: {  	[simem:s7], [sflag:s8] =	dma.local @!p0 [hbm:s6], $0xF7A  }
0x23: {  	s9 =	sor.u32 $0xD0000000, s2;
	s6 =	simm.s32 $0x108;
	_ =	swait.ge @!p0 [sflag:s8], $0x0  }
0x24: {  	s3 =	sadd.s32 $0x88, s3;
	s6 =	simm.s32 @!p1 $0x1082;
	[sflag:s4] =	ssyncset.s32 $0xFFFFF086  }
0x25: {  	[simem:s6], [sflag:s4] =	dma.local [hbm:s3], $0xF7A  }
0x26: {  	[smem:$0x3F9D] =	sst s1;
	(tag) =	ssettag s2;
	_ =	strace s9  }
0x27: {  	s1 =	sld [smem:$0x3FAD]  }
0x28: {  	s2 =	sld [smem:$0x3FAE]  }
0x29: {  	s4 =	sld [smem:$0x3FB0]  }
0x2a: {  	p0 =	seq.s32 s5, $0x0;
	s5 =	sld [smem:$0x3FB1]  }
0x2b: {  	s6 =	sld [smem:$0x3FB2]  }
0x2c: {  	s7 =	sld [smem:$0x3FB3]  }
0x2d: {  	s3 =	simm.s32 $0x108;
	s8 =	sld [smem:$0x3FB4]  }
0x2e: {  	s3 =	simm.s32 @!p0 $0x1082;
	s9 =	sld [smem:$0x3FB5]  }
0x2f: {  	lr =	sadd.s32 s0, s3;
	s0 =	sld [smem:$0x3FAC]  }
0x30: {  	s3 =	sld [smem:$0x3FAF]  }
0x31: {  	[smem:$0x3FB8] =	sst s10  }
0x32: {  	s10 =	sld [smem:$0x3FB6];
	_ =	sdelay $0x3  }
0x33: {  	p0 =	seq.s32 s10, $0x1;
	s10 =	sld [smem:$0x3FB8];
	_ =	sdelay $0x3  }
0x34: {  	[smem:$0x3FB8] =	sst s10  }
0x35: {  	s10 =	sld [smem:$0x3FB7];
	_ =	sdelay $0x3  }
0x36: {  	p1 =	seq.s32 s10, $0x1;
	s10 =	sld [smem:$0x3FB8];
	_ =	sdelay $0x3  }
0x37: {  	[smem:$0x3FB8] =	sst s10  }
0x38: {  	s10 =	sld [smem:$0x3FB9]  }
0x39: {  	_ = 	snop;
	(pc) =	sbr.ind lr, $3  }
0x3a: {  	_ = 	snop  }
0x3b: {  	_ = 	snop  }
0x3c: {  	p2 =	seq.s32 s10, $0x1;
	s10 =	sld [smem:$0x3FB8]  }
0x3d: {  	_ =	shalt  }
0x3e: {  	_ =	shalt  }
0x3f: {  	_ =	shalt  }
0x40: {  	_ =	shalt  }
0x41: {  	_ =	shalt  }
0x42: {  	_ =	shalt  }
0x43: {  	_ =	shalt  }
0x44: {  	_ =	shalt  }
0x45: {  	_ =	shalt  }
0x46: {  	_ =	shalt  }
0x47: {  	_ =	shalt  }
0x48: {  	_ =	shalt  }
0x49: {  	_ =	shalt  }
0x4a: {  	_ =	shalt  }
0x4b: {  	_ =	shalt  }
0x4c: {  	_ =	shalt  }
0x4d: {  	_ =	shalt  }
0x4e: {  	_ =	shalt  }
0x4f: {  	_ =	shalt  }
0x50: {  	_ =	shalt  }
0x51: {  	_ =	shalt  }
0x52: {  	_ =	shalt  }
0x53: {  	_ =	shalt  }
0x54: {  	_ =	shalt  }
0x55: {  	_ =	shalt  }
0x56: {  	_ =	shalt  }
0x57: {  	_ =	shalt  }
0x58: {  	_ =	shalt  }
0x59: {  	_ =	shalt  }
0x5a: {  	_ =	shalt  }
0x5b: {  	_ =	shalt  }
0x5c: {  	_ =	shalt  }
0x5d: {  	_ =	shalt  }
0x5e: {  	_ =	shalt  }
0x5f: {  	_ =	shalt  }
0x60: {  	_ =	shalt  }
0x61: {  	_ =	shalt  }
0x62: {  	_ =	shalt  }
0x63: {  	_ =	shalt  }
0x64: {  	_ =	shalt  }
0x65: {  	_ =	shalt  }
0x66: {  	_ =	shalt  }
0x67: {  	_ =	shalt  }
0x68: {  	_ =	shalt  }
0x69: {  	_ =	shalt  }
0x6a: {  	_ =	shalt  }
0x6b: {  	_ =	shalt  }
0x6c: {  	_ =	shalt  }
0x6d: {  	_ =	shalt  }
0x6e: {  	_ =	shalt  }
0x6f: {  	_ =	shalt  }
0x70: {  	_ =	shalt  }
0x71: {  	_ =	shalt  }
0x72: {  	_ =	shalt  }
0x73: {  	_ =	shalt  }
0x74: {  	_ =	shalt  }
0x75: {  	_ =	shalt  }
0x76: {  	_ =	shalt  }
0x77: {  	_ =	shalt  }
0x78: {  	_ =	shalt  }
0x79: {  	_ =	shalt  }
0x7a: {  	_ =	shalt  }
0x7b: {  	_ =	shalt  }
0x7c: {  	_ =	shalt  }
0x7d: {  	_ =	shalt  }
0x7e: {  	_ =	shalt  }
0x7f: {  	_ =	shalt  }
0x80: {  	_ =	shalt  }
0x81: {  	_ =	shalt  }
0x82: {  	_ =	shalt  }
0x83: {  	_ =	shalt  }
0x84: {  	_ =	shalt  }
0x85: {  	_ =	shalt  }
0x86: {  	_ =	shalt  }
0x87: {  	_ =	shalt  }
.Lfunc_end0:
.L_simem_size_0:
called_computation_lowered:
.L_overlay_start_0:
0x88: {  	s2 =	sld [smem:$0x3FD9]  }
0x89: {  	s3 =	sld [smem:$0x3FFE];
	_ =	sdelay $0x1  }
0x8a: {  	s1 =	srdreg.scid  }
0x8b: {  	s0 =	sand.u32 $0x1, s1  }
0x8c: {  	s16 =	sshll.u32 s0, $0xA;
	s2 =	sadd.s32 s3, s2  }
0x8d: {  	s2 =	sadd.s32 s2, s16  }
0x8e: {  	[smem:$0x3FC4] =	sst s2  }
0x8f: {  	_ = 	snop  }
0x90: {  	(tm) =	ssettm $0x1  }
0x91: {  	s17 =	sld [smem:$0x3FFB];
	_ =	sdelay $0x3  }
0x92: {  	_ =	strace s17  }
0x93: {  	s2 =	sld [smem:$0x3FFC];
	_ =	sdelay $0x3  }
0x94: {  	_ =	strace s2  }
0x95: {  	s2 =	sld [smem:$0x3FFD];
	_ =	sdelay $0x3  }
0x96: {  	_ =	strace s2  }
0x97: {  	_ =	strace $0x8FFFFFFF  }
0x98: {  	s18 =	sld [smem:$0x3FDB];
	_ =	sdelay $0x1  }
0x99: {  	s19 =	simm.s32 $_scs_section_size  }
0x9a: {  	s4 =	simm.s32 $_size__tile_overlayer_lowered;
	s5 =	simm.s32 $_tile_overlayer_lowered  }
0x9b: {  	s22 =	simm.s32 $0x1BFF;
	s21 =	sshll.u32 s5, $0x1;
	s2 =	sadd.s32 s19, s18  }
0x9c: {  	s6 =	simm.s32 $0x0;
	s20 =	sshll.u32 s4, $0x1;
	s4 =	sadd.s32 s21, s2  }
0x9d: {  	[timem:s6], [sflag:s22] =	dma.local [hbm:s4], s20  }
0x9e: {  	_ =	swait.ge [sflag:s22], s20  }
0x9f: {  	s3 =	ssub.s32 $0x0, s20;
	[sflag:s22] =	ssyncset.done $0x0  }
0xa0: {  	[sflag:s22] =	ssyncadd.s32 s3;
	_ =	sdelay $0x1  }
0xa1: {  	s23 =	simm.s32 $0x1B8B  }
0xa2: {  	_ =	swait.ge [sflag:s23], $0x1  }
0xa3: {  	[sflag:s23] =	ssyncset.done $0x0  }
0xa4: {  	s25 =	simm.s32 $0x1B8E;
	s24 =	sld [smem:$0x3FFE];
	[sflag:s23] =	ssyncadd.s32 $0xFFFFFFFF  }
0xa5: {  	s26 =	simm.s32 $execute0_lowered;
	[smem:$0x3FD2] =	sst s25  }
0xa6: {  	s4 =	sshll.u32 s26, $0x1;
	_ =	strace $0x80000046;
	[dreg:$0x1] =	wrdreg $0xFFFFFFFF  }
0xa7: {  	s28 =	simm.s32 $_size_execute0_lowered;
	s2 =	sadd.s32 s2, s4;
	[dreg:$0x0] =	wrdreg $0x0  }
0xa8: {  	s4 =	sshll.u32 s28, $0x1;
	[dreg:$0x2] =	wrdreg s2  }
0xa9: {  	[dreg:$0x3] =	wrdreg s4  }
0xaa: {  	[dreg:$0x4] =	wrdreg $0xC0  }
0xab: {  	_ =	task [dreg:s6], $0x5FFFF  }
0xac: {  	[dreg:$0x1] =	wrdreg $0xFFFFFFFF  }
0xad: {  	[dreg:$0x0] =	wrdreg $0x60  }
0xae: {  	[dreg:$0x2] =	wrdreg s24  }
0xaf: {  	[dreg:$0x3] =	wrdreg $0x9  }
0xb0: {  	_ =	task.clear_ibuf [dreg:s6], $0x4FFFF;
	_ =	strace $0x90000046  }
0xb1: {  	s29 =	simm.s32 $0x9;
	_ =	strace $0x80000048  }
0xb2: {  	_ =	swait.ge [sflag:s29], $0x1  }
0xb3: {  	[sflag:s29] =	ssyncadd.s32 $0xFFFFFFFF  }
0xb4: {  	_ =	strace $0x90000048  }
0xb5: {  	_ =	sfence  }
0xb6: {  	s30 =	sld [smem:$0x0];
	_ =	sdelay $0x2  }
0xb7: {  	s31 =	sshll.u32 s1, $0xD;
	s1 =	sshrl.u32 s1, $0x2  }
0xb8: {  	s3 =	sand.u32 $0x4000, s31;
	s1 =	sadd.s32 s1, s30  }
0xb9: {  	s0 =	sor.u32 s3, s0;
	s1 =	sshll.u32 s1, $0x11  }
0xba: {  	s0 =	sor.u32 s1, s0  }
0xbb: {  	s0 =	sadd.s32 $0x8F2B, s0  }
0xbc: {  	[sflag:s0] =	ssyncadd.remote.s32 $0x1  }
0xbd: {  	_ =	sfence.sel $0xFFFF  }
0xbe: {  	[dreg:$0x0] =	wrdreg $0xFFFFFFFF;
	(pc) =	sbr.abs _section_cstart, $3  }
0xbf: {  	[dreg:$0x1] =	wrdreg $0xFFFFFFFF  }
0xc0: {  	_ =	task.clear_ibuf [dreg:s6], $0x2FFFF;
	_ =	strace $0x9FFFFFFF  }
0xc1: {  	(tm) =	ssettm $0x7FFFFFFF  }
tec
execute0_lowered:
.L_overlay_start_1:
0x0: {  	(tag) =	ssettag $0x1  }
0x1: {  	s3 =	rddreg [dreg:$0x0]  }
0x2: {  	s0 =	rddreg [dreg:$0x1];
	s4 =	srdreg.scid  }
0x3: {  	s2 =	simm.s32 $0x0;
	s1 =	stileid.u32;
	s9 =	simm.s32 $0x4000  }
0x4: {  	s10 =	simm.s32 $0x50;
	s11 =	simm.s32 $0x1;
	s12 =	simm.s32 $0x0  }
0x5: {  	s4 =	sand.u32 $0x1, s4;
	[smem:$0x7FF] =	sst s2;
	s5 =	sshll.u32 s1, $0xC  }
0x6: {  	s8 =	smul.u32 $0x4E20, s1;
	s6 =	sshll.u32 s4, $0xB;
	_ =	strace $0x80000047  }
0x7: {  	s30 =	ssub.s32 $0x2, s4;
	s31 =	smul.u32 $0x2710, s4;
	s5 =	sor.u32 s6, s5  }
0x8: {  	s7 =	sshrl.u32 s30, $0x1;
	s5 =	sadd.s32 s5, s3;
	s3 =	sadd.s32 $0x2B000, s3  }
0x9: {  	s6 =	ssub.s32 s30, s7;
	s7 =	sadd.s32 s31, s8;
	s8 =	simm.s32 $0x2  }
0xa: {  	v0 =	vlaneseq.u32;
	s4 =	sadd.s32 $0x1B000, s5;
	s5 =	sadd.s32 $0xB000, s5;
	s6 =	smax.u32 s6, $0x1  }
.LBB2_1:
0xb: {  	[tilespmem:s2], [sflag:$0x2] =	stream.linear.gather [hbm4b:s4+s2], $0x3E80, $0x38;
	[tilespmem:$0x10000] =	vst v63  }
0xc: {  	_ =	swait.ge [sflag:s8], $0x3E80  }
0xd: {  	[sflag:s8] =	ssyncset.done $0x0  }
0xe: {  	[sflag:s8] =	ssyncadd.s32 $0xFFFFC180  }
0xf: {  	[tilespmem:s9], [sflag:$0x2] =	stream.linear.gather [hbm4b:s5+s2], $0x3E80, $0x38;
	[tilespmem:$0x10000] =	vst v63  }
0x10: {  	_ =	swait.ge [sflag:s8], $0x3E80  }
0x11: {  	[sflag:s8] =	ssyncset.done $0x0  }
0x12: {  	s13 =	simm.s32 $0x4020;
	[sflag:s8] =	ssyncadd.s32 $0xFFFFC180  }
0x13: {  	v1 =	vld [tilespmem:s13+$0xFFFFFFE0]  }
0x14: {  	s14 =	simm.s32 $0x20  }
0x15: {  	v2 =	vld [tilespmem:s14+$0xFFFFFFE0];
	_ =	sdelay $0x2  }
0x16: {  	v1 =	vmul.u32 $0x2710, v1;
	_ =	sdelay $0x1  }
0x17: {  	s15 =	simm.s32 $0x8020;
	s17 =	sadd.s32 $0x0, s7;
	v1 =	vadd.s32 v2, v1  }
0x18: {  	s16 =	simm.s32 $0xC020;
	[tilespmem:s15+$0xFFFFFFE0] =	vst v1;
	v1 =	vor.u32 s17, v0  }
0x19: {  	[tilespmem:s16+$0xFFFFFFE0] =	vst v1  }
0x1a: {  	v1 =	vld [tilespmem:s13+$0xFFFFFFF0];
	_ =	sdelay $0x1  }
0x1b: {  	v2 =	vld [tilespmem:s14+$0xFFFFFFF0];
	_ =	sdelay $0x2  }
0x1c: {  	v1 =	vmul.u32 $0x2710, v1;
	_ =	sdelay $0x1  }
0x1d: {  	s18 =	sadd.s32 $0x10, s17;
	v1 =	vadd.s32 v2, v1  }
0x1e: {  	[tilespmem:s15+$0xFFFFFFF0] =	vst v1;
	v1 =	vor.u32 s18, v0  }
0x1f: {  	[tilespmem:s16+$0xFFFFFFF0] =	vst v1  }
0x20: {  	v1 =	vld [tilespmem:s13+$0x0];
	_ =	sdelay $0x1  }
0x21: {  	v2 =	vld [tilespmem:s14+$0x0];
	_ =	sdelay $0x2  }
0x22: {  	v1 =	vmul.u32 $0x2710, v1;
	_ =	sdelay $0x1  }
0x23: {  	s29 =	sadd.s32 $0x20, s17;
	v1 =	vadd.s32 v2, v1  }
0x24: {  	[tilespmem:s15+$0x0] =	vst v1;
	v1 =	vor.u32 s29, v0  }
0x25: {  	[tilespmem:s16+$0x0] =	vst v1  }
0x26: {  	v1 =	vld [tilespmem:s13+$0x10];
	_ =	sdelay $0x1  }
0x27: {  	v2 =	vld [tilespmem:s14+$0x10];
	_ =	sdelay $0x2  }
0x28: {  	v1 =	vmul.u32 $0x2710, v1;
	_ =	sdelay $0x1  }
0x29: {  	s30 =	sadd.s32 $0x30, s17;
	v1 =	vadd.s32 v2, v1  }
0x2a: {  	[tilespmem:s15+$0x10] =	vst v1;
	v1 =	vor.u32 s30, v0  }
0x2b: {  	[tilespmem:s16+$0x10] =	vst v1  }
0x2c: {  	v1 =	vld [tilespmem:s13+$0x20];
	_ =	sdelay $0x1  }
0x2d: {  	v2 =	vld [tilespmem:s14+$0x20];
	_ =	sdelay $0x2  }
0x2e: {  	v1 =	vmul.u32 $0x2710, v1;
	_ =	sdelay $0x1  }
0x2f: {  	s31 =	sadd.s32 $0x40, s17;
	v1 =	vadd.s32 v2, v1  }
0x30: {  	s17 =	simm.s32 $0x50;
	s18 =	simm.s32 $0xC0A0;
	[tilespmem:s15+$0x20] =	vst v1;
	v1 =	vor.u32 s31, v0  }
.LBB2_2:
0x31: {  	[tilespmem:s16+$0x20] =	vst v1;
	s13 =	sadd.s32 $0x80, s13;
	s14 =	sadd.s32 $0x80, s14;
	s15 =	sadd.s32 $0x80, s15  }
0x32: {  	p0 =	sne.s32 s17, $0x26C0;
	s19 =	smov.u32 s17;
	s17 =	sadd.s32 $0x50, s17;
	v1 =	vld [tilespmem:s13+$0xFFFFFFE0]  }
0x33: {  	s16 =	smov.u32 s18  }
0x34: {  	v2 =	vld [tilespmem:s14+$0xFFFFFFE0];
	_ =	sdelay $0x2  }
0x35: {  	v1 =	vmul.u32 $0x2710, v1;
	_ =	sdelay $0x1  }
0x36: {  	s19 =	sadd.s32 s19, s7;
	v1 =	vadd.s32 v2, v1  }
0x37: {  	s20 =	sadd.s32 $0x10, s19;
	s21 =	sadd.s32 $0x20, s19;
	s22 =	sadd.s32 $0x30, s19;
	[tilespmem:s15+$0xFFFFFFE0] =	vst v1;
	v1 =	vor.u32 s19, v0  }
0x38: {  	s19 =	sadd.s32 $0x40, s19;
	[tilespmem:s18+$0xFFFFFFE0] =	vst v1  }
0x39: {  	v1 =	vld [tilespmem:s13+$0xFFFFFFF0];
	_ =	sdelay $0x1  }
0x3a: {  	v2 =	vld [tilespmem:s14+$0xFFFFFFF0];
	_ =	sdelay $0x2  }
0x3b: {  	v1 =	vmul.u32 $0x2710, v1;
	_ =	sdelay $0x1  }
0x3c: {  	v1 =	vadd.s32 v2, v1  }
0x3d: {  	[tilespmem:s15+$0xFFFFFFF0] =	vst v1;
	v1 =	vor.u32 s20, v0  }
0x3e: {  	[tilespmem:s18+$0xFFFFFFF0] =	vst v1  }
0x3f: {  	v1 =	vld [tilespmem:s13+$0x0];
	_ =	sdelay $0x1  }
0x40: {  	v2 =	vld [tilespmem:s14+$0x0];
	_ =	sdelay $0x2  }
0x41: {  	v1 =	vmul.u32 $0x2710, v1;
	_ =	sdelay $0x1  }
0x42: {  	v1 =	vadd.s32 v2, v1  }
0x43: {  	[tilespmem:s15+$0x0] =	vst v1;
	v1 =	vor.u32 s21, v0  }
0x44: {  	[tilespmem:s18+$0x0] =	vst v1  }
0x45: {  	v1 =	vld [tilespmem:s13+$0x10]  }
0x46: {  	v2 =	vld [tilespmem:s14+$0x10];
	_ =	sdelay $0x3  }
0x47: {  	v1 =	vmul.u32 $0x2710, v1;
	_ =	sdelay $0x1  }
0x48: {  	v1 =	vadd.s32 v2, v1  }
0x49: {  	[tilespmem:s15+$0x10] =	vst v1;
	v1 =	vor.u32 s22, v0  }
0x4a: {  	[tilespmem:s18+$0x10] =	vst v1  }
0x4b: {  	v1 =	vld [tilespmem:s13+$0x20]  }
0x4c: {  	v2 =	vld [tilespmem:s14+$0x20];
	_ =	sdelay $0x2  }
.Ltmp0:
0x4d: {  	(pc) =	sbr.rel @p0 .LBB2_2-.Ltmp0, $3  }
0x4e: {  	v1 =	vmul.u32 $0x2710, v1;
	_ =	sdelay $0x1  }
0x4f: {  	v1 =	vadd.s32 v2, v1  }
0x50: {  	s18 =	sadd.s32 $0x80, s18;
	[tilespmem:s15+$0x20] =	vst v1;
	v1 =	vor.u32 s19, v0  }
0x51: {  	[tilespmem:s16+$0x20] =	vst v1;
	s13 =	simm.s32 $0xC000;
	s14 =	simm.s32 $0x8000  }
0x52: {  	[hbm4b:s3+s10] =	stream.indirect.scatter [tilespmem:s13], [sflag:$0x1], $0x1, s14, s10, $0xb8;
	[tilespmem:$0x10000] =	vst v63  }
0x53: {  	s13 =	simm.s32 $0x200;
	_ =	swait.ge [sflag:s11], $0x50  }
.LBB2_4:
0x54: {  	s14 =	sshra.s32 s13, $0x2  }
0x55: {  	[sflag:s11] =	ssyncset.done $0x0;
	p0 =	sne.s32 s13, $0xF800;
	s15 =	sadd.s32 $0xC000, s14  }
.Ltmp1:
0x56: {  	s14 =	sadd.s32 $0x8000, s14;
	[sflag:s11] =	ssyncadd.s32 $0xFFFFFFB0;
	(pc) =	sbr.rel @p0 .LBB2_4-.Ltmp1, $3  }
0x57: {  	[hbm4b:s3+s10] =	stream.indirect.scatter [tilespmem:s15], [sflag:$0x1], $0x1, s14, s10, $0xb8;
	[tilespmem:$0x10000] =	vst v63  }
0x58: {  	s13 =	sadd.s32 $0x200, s13;
	_ =	sdelay $0x1  }
0x59: {  	_ =	swait.ge [sflag:s11], $0x50  }
0x5a: {  	s12 =	sadd.s32 $0x1, s12  }
0x5b: {  	p0 =	sne.s32 s12, s6  }
.Ltmp2:
0x5c: {  	_ = 	snop;
	(pc) =	sbr.rel @p0 .LBB2_1-.Ltmp2, $3  }
0x5d: {  	_ =	sdelay $0x1  }
0x5e: {  	[sflag:s11] =	ssyncset.done $0x0  }
0x5f: {  	[sflag:s11] =	ssyncadd.s32 $0xFFFFFFB0  }
0x60: {  	_ =	sfence.sel $0x180000  }
0x61: {  	[bflag:$0x0] =	sbarrier.arrive $0xFFFF  }
0x62: {  	p0 =	sne.s32 s1, $0x0;
	_ =	strace $0x90000047  }
0x63: {  	s0 =	sadd.s32 @!p0 $0x100000, s0;
	[bflag:$0x2] =	sbarrier.arrive $0xFFFF  }
0x64: {  	[sflag:s0] =	ssyncadd.tile.s32 @!p0 $0x1;
	_ =	shalt  }
.Lfunc_end2:
_tile_overlayer_lowered:
.L_overlay_start_2:
0x65: {  	(tag) =	ssettag $0x2  }
0x66: {  	s0 =	rddreg [dreg:$0x0];
	s2 =	stileid.u32  }
0x67: {  	s1 =	rddreg [dreg:$0x1];
	p0 =	sne.s32 s2, $0x0  }
0x68: {  	s3 =	rddreg [dreg:$0x2];
	[bflag:$0x3] =	sbarrier.arrive $0xFFFF;
	s2 =	simm.s32 @!p0 $0x1C02  }
0x69: {  	[timem:s3], [sflag:s2] =	dma.local @!p0 [hbm:s0], s1  }
0x6a: {  	s0 =	simm.s32 @!p0 $0x2  }
0x6b: {  	_ =	swait.ge @!p0 [sflag:s0], s1  }
0x6c: {  	s1 =	ssub.s32 @!p0 $0x0, s1;
	[sflag:s0] =	ssyncset.done @!p0 $0x0  }
0x6d: {  	[sflag:s0] =	ssyncadd.s32 @!p0 s1  }
0x6e: {  	[bflag:$0x3] =	sbarrier.arrive $0xFFFF  }
0x6f: {  	_ =	shalt  }

// kernel: kernel.9.cloned.1.call-start
scs
__scs_entry_jumppad:
0x0: {  	(pc) =	sbr.rel $0x88, $3  }
0x1: {  	(tag) =	ssettag $0x0;
	lr =	simm.s32 $0x1  }
0x2: {  	[smem:$0x3F9D] =	sst lr;
	_ =	strace $0xD0000000  }
0x3: {  	_ = 	snop  }
0x4: {  	_ = 	snop  }
0x5: {  	_ = 	snop  }
0x6: {  	_ = 	snop  }
0x7: {  	_ = 	snop  }
__scs_overlays_trampoline_lowered:
0x8: {  	[smem:$0x3FAC] =	sst s0  }
0x9: {  	[smem:$0x3FAD] =	sst s1  }
0xa: {  	[smem:$0x3FAE] =	sst s2  }
0xb: {  	[smem:$0x3FAF] =	sst s3  }
0xc: {  	[smem:$0x3FB0] =	sst s4  }
0xd: {  	[smem:$0x3FB1] =	sst s5  }
0xe: {  	[smem:$0x3FB2] =	sst s6  }
0xf: {  	[smem:$0x3FB3] =	sst s7  }
0x10: {  	[smem:$0x3FB4] =	sst s8  }
0x11: {  	[smem:$0x3FB5] =	sst s9;
	s0 =	simm.s32 @!p0 $0x0  }
0x12: {  	s1 =	sld [smem:$0x3F9B];
	s0 =	simm.s32 @p0 $0x1  }
0x13: {  	[smem:$0x3FB6] =	sst s0;
	s0 =	simm.s32 @!p1 $0x0  }
0x14: {  	s2 =	sld [smem:$0x3F9A];
	s0 =	simm.s32 @p1 $0x1  }
0x15: {  	[smem:$0x3FB7] =	sst s0;
	s0 =	simm.s32 @!p2 $0x0  }
0x16: {  	s3 =	sld [smem:$0x3FDB];
	s0 =	simm.s32 @p2 $0x1  }
0x17: {  	s4 =	simm.s32 $0x1BF5;
	[smem:$0x3FB9] =	sst s0  }
0x18: {  	s0 =	sld [smem:$0x3F9C];
	_ =	swait.ge [sflag:s4], $0x0  }
0x19: {  	s7 =	sld [smem:$0x3F9D]  }
0x1a: {  	s8 =	sadd.s32 $0xFFFFE003, lr  }
0x1b: {  	s9 =	sadd.s32 $0xFFFFFEF7, lr;
	s5 =	simm.s32 $0xFFFFFFFF;
	p2 =	slt.u32 s8, $0xFFFFF086  }
0x1c: {  	p1 =	slt.u32 s9, $0xF7A;
	s5 =	simm.s32 @!p2 $0x0  }
0x1d: {  	s5 =	simm.s32 @p1 $0x1;
	p0 =	seq.s32 s7, s2  }
0x1e: {  	s7 =	smul.u32 @!p0 $0xF7A, s2;
	p2 =	seq.s32 @!p0 s5, $0x0  }
0x1f: {  	s9 =	smul.u32 $0xF7A, s1;
	s8 =	simm.s32 @!p0 $0x1BF5;
	p2 =	por !p2, p0  }
0x20: {  	[sflag:s8] =	ssyncset.s32 @!p0 $0xFFFFF086;
	s6 =	sadd.s32 @!p0 s3, s7;
	s7 =	simm.s32 @!p0 $0x108  }
0x21: {  	s3 =	sadd.s32 s3, s9;
	s6 =	sadd.s32 @!p0 $0x88, s6;
	s7 =	simm.s32 @p2 $0x1082  }
0x22: {  	[simem:s7], [sflag:s8] =	dma.local @!p0 [hbm:s6], $0xF7A  }
0x23: {  	s9 =	sor.u32 $0xD0000000, s2;
	s6 =	simm.s32 $0x108;
	_ =	swait.ge @!p0 [sflag:s8], $0x0  }
0x24: {  	s3 =	sadd.s32 $0x88, s3;
	s6 =	simm.s32 @!p1 $0x1082;
	[sflag:s4] =	ssyncset.s32 $0xFFFFF086  }
0x25: {  	[simem:s6], [sflag:s4] =	dma.local [hbm:s3], $0xF7A  }
0x26: {  	[smem:$0x3F9D] =	sst s1;
	(tag) =	ssettag s2;
	_ =	strace s9  }
0x27: {  	s1 =	sld [smem:$0x3FAD]  }
0x28: {  	s2 =	sld [smem:$0x3FAE]  }
0x29: {  	s4 =	sld [smem:$0x3FB0]  }
0x2a: {  	p0 =	seq.s32 s5, $0x0;
	s5 =	sld [smem:$0x3FB1]  }
0x2b: {  	s6 =	sld [smem:$0x3FB2]  }
0x2c: {  	s7 =	sld [smem:$0x3FB3]  }
0x2d: {  	s3 =	simm.s32 $0x108;
	s8 =	sld [smem:$0x3FB4]  }
0x2e: {  	s3 =	simm.s32 @!p0 $0x1082;
	s9 =	sld [smem:$0x3FB5]  }
0x2f: {  	lr =	sadd.s32 s0, s3;
	s0 =	sld [smem:$0x3FAC]  }
0x30: {  	s3 =	sld [smem:$0x3FAF]  }
0x31: {  	[smem:$0x3FB8] =	sst s10  }
0x32: {  	s10 =	sld [smem:$0x3FB6];
	_ =	sdelay $0x3  }
0x33: {  	p0 =	seq.s32 s10, $0x1;
	s10 =	sld [smem:$0x3FB8];
	_ =	sdelay $0x3  }
0x34: {  	[smem:$0x3FB8] =	sst s10  }
0x35: {  	s10 =	sld [smem:$0x3FB7];
	_ =	sdelay $0x3  }
0x36: {  	p1 =	seq.s32 s10, $0x1;
	s10 =	sld [smem:$0x3FB8];
	_ =	sdelay $0x3  }
0x37: {  	[smem:$0x3FB8] =	sst s10  }
0x38: {  	s10 =	sld [smem:$0x3FB9]  }
0x39: {  	_ = 	snop;
	(pc) =	sbr.ind lr, $3  }
0x3a: {  	_ = 	snop  }
0x3b: {  	_ = 	snop  }
0x3c: {  	p2 =	seq.s32 s10, $0x1;
	s10 =	sld [smem:$0x3FB8]  }
0x3d: {  	_ =	shalt  }
0x3e: {  	_ =	shalt  }
0x3f: {  	_ =	shalt  }
0x40: {  	_ =	shalt  }
0x41: {  	_ =	shalt  }
0x42: {  	_ =	shalt  }
0x43: {  	_ =	shalt  }
0x44: {  	_ =	shalt  }
0x45: {  	_ =	shalt  }
0x46: {  	_ =	shalt  }
0x47: {  	_ =	shalt  }
0x48: {  	_ =	shalt  }
0x49: {  	_ =	shalt  }
0x4a: {  	_ =	shalt  }
0x4b: {  	_ =	shalt  }
0x4c: {  	_ =	shalt  }
0x4d: {  	_ =	shalt  }
0x4e: {  	_ =	shalt  }
0x4f: {  	_ =	shalt  }
0x50: {  	_ =	shalt  }
0x51: {  	_ =	shalt  }
0x52: {  	_ =	shalt  }
0x53: {  	_ =	shalt  }
0x54: {  	_ =	shalt  }
0x55: {  	_ =	shalt  }
0x56: {  	_ =	shalt  }
0x57: {  	_ =	shalt  }
0x58: {  	_ =	shalt  }
0x59: {  	_ =	shalt  }
0x5a: {  	_ =	shalt  }
0x5b: {  	_ =	shalt  }
0x5c: {  	_ =	shalt  }
0x5d: {  	_ =	shalt  }
0x5e: {  	_ =	shalt  }
0x5f: {  	_ =	shalt  }
0x60: {  	_ =	shalt  }
0x61: {  	_ =	shalt  }
0x62: {  	_ =	shalt  }
0x63: {  	_ =	shalt  }
0x64: {  	_ =	shalt  }
0x65: {  	_ =	shalt  }
0x66: {  	_ =	shalt  }
0x67: {  	_ =	shalt  }
0x68: {  	_ =	shalt  }
0x69: {  	_ =	shalt  }
0x6a: {  	_ =	shalt  }
0x6b: {  	_ =	shalt  }
0x6c: {  	_ =	shalt  }
0x6d: {  	_ =	shalt  }
0x6e: {  	_ =	shalt  }
0x6f: {  	_ =	shalt  }
0x70: {  	_ =	shalt  }
0x71: {  	_ =	shalt  }
0x72: {  	_ =	shalt  }
0x73: {  	_ =	shalt  }
0x74: {  	_ =	shalt  }
0x75: {  	_ =	shalt  }
0x76: {  	_ =	shalt  }
0x77: {  	_ =	shalt  }
0x78: {  	_ =	shalt  }
0x79: {  	_ =	shalt  }
0x7a: {  	_ =	shalt  }
0x7b: {  	_ =	shalt  }
0x7c: {  	_ =	shalt  }
0x7d: {  	_ =	shalt  }
0x7e: {  	_ =	shalt  }
0x7f: {  	_ =	shalt  }
0x80: {  	_ =	shalt  }
0x81: {  	_ =	shalt  }
0x82: {  	_ =	shalt  }
0x83: {  	_ =	shalt  }
0x84: {  	_ =	shalt  }
0x85: {  	_ =	shalt  }
0x86: {  	_ =	shalt  }
0x87: {  	_ =	shalt  }
.Lfunc_end0:
.L_simem_size_0:
called_computation.1_lowered:
.L_overlay_start_0:
0x88: {  	s2 =	sld [smem:$0x3FD9]  }
0x89: {  	s3 =	sld [smem:$0x3FFE];
	_ =	sdelay $0x1  }
0x8a: {  	s1 =	srdreg.scid  }
0x8b: {  	s0 =	sand.u32 $0x1, s1  }
0x8c: {  	s17 =	sshll.u32 s0, $0xA;
	s2 =	sadd.s32 s3, s2  }
0x8d: {  	s2 =	sadd.s32 s2, s17  }
0x8e: {  	[smem:$0x3FC4] =	sst s2  }
0x8f: {  	_ = 	snop  }
0x90: {  	s2 =	sld [smem:$0x3FC9]  }
0x91: {  	s18 =	sld [smem:$0x3FD0];
	(tm) =	ssettm $0x1  }
0x92: {  	s4 =	sld [smem:$0x3FFB];
	_ =	sdelay $0x3  }
0x93: {  	_ =	strace s4  }
0x94: {  	s4 =	sld [smem:$0x3FFC];
	_ =	sdelay $0x3  }
0x95: {  	_ =	strace s4  }
0x96: {  	s4 =	sld [smem:$0x3FFD];
	_ =	sdelay $0x3  }
0x97: {  	_ =	strace s4  }
0x98: {  	_ =	strace $0x8FFFFFFF  }
0x99: {  	s19 =	sld [smem:$0x3FDB];
	_ =	sdelay $0x1  }
0x9a: {  	s5 =	simm.s32 $_scs_section_size  }
0x9b: {  	s6 =	simm.s32 $_size__tile_overlayer_lowered;
	s7 =	simm.s32 $_tile_overlayer_lowered  }
0x9c: {  	s22 =	simm.s32 $0x1BFF;
	s21 =	sshll.u32 s7, $0x1;
	s4 =	sadd.s32 s5, s19  }
0x9d: {  	s8 =	simm.s32 $0x0;
	s20 =	sshll.u32 s6, $0x1;
	s6 =	sadd.s32 s21, s4  }
0x9e: {  	[timem:s8], [sflag:s22] =	dma.local [hbm:s6], s20  }
0x9f: {  	_ =	swait.ge [sflag:s22], s20  }
0xa0: {  	s5 =	ssub.s32 $0x0, s20;
	[sflag:s22] =	ssyncset.done $0x0  }
0xa1: {  	[sflag:s22] =	ssyncadd.s32 s5;
	_ =	sdelay $0x1  }
0xa2: {  	s23 =	simm.s32 $0x1B8B  }
0xa3: {  	_ =	swait.ge [sflag:s23], $0x1  }
0xa4: {  	[sflag:s23] =	ssyncset.done $0x0  }
0xa5: {  	s25 =	simm.s32 $0x1B8E;
	s24 =	sld [smem:$0x3FFE];
	[sflag:s23] =	ssyncadd.s32 $0xFFFFFFFF  }
0xa6: {  	s26 =	simm.s32 $execute0_lowered;
	[smem:$0x3FD2] =	sst s25  }
0xa7: {  	s6 =	sshll.u32 s26, $0x1;
	_ =	strace $0x80000049;
	[dreg:$0x1] =	wrdreg $0xFFFFFFFF  }
0xa8: {  	s28 =	simm.s32 $_size_execute0_lowered;
	s4 =	sadd.s32 s4, s6;
	[dreg:$0x0] =	wrdreg $0x0  }
0xa9: {  	s6 =	sshll.u32 s28, $0x1;
	[dreg:$0x2] =	wrdreg s4  }
0xaa: {  	[dreg:$0x3] =	wrdreg s6  }
0xab: {  	[dreg:$0x4] =	wrdreg $0xC0  }
0xac: {  	_ =	task [dreg:s8], $0x5FFFF  }
0xad: {  	[dreg:$0x1] =	wrdreg $0xFFFFFFFF  }
0xae: {  	[dreg:$0x0] =	wrdreg $0x60  }
0xaf: {  	[dreg:$0x2] =	wrdreg s18  }
0xb0: {  	[dreg:$0x3] =	wrdreg s24  }
0xb1: {  	[dreg:$0x4] =	wrdreg s2  }
0xb2: {  	[dreg:$0x5] =	wrdreg $0x56000  }
0xb3: {  	[dreg:$0x6] =	wrdreg $0x18E800  }
0xb4: {  	[dreg:$0x7] =	wrdreg $0x9  }
0xb5: {  	_ =	task.clear_ibuf [dreg:s8], $0x8FFFF;
	_ =	strace $0x90000049  }
0xb6: {  	s29 =	simm.s32 $0x9;
	_ =	strace $0x8000004B  }
0xb7: {  	_ =	swait.ge [sflag:s29], $0x1  }
0xb8: {  	[sflag:s29] =	ssyncadd.s32 $0xFFFFFFFF  }
0xb9: {  	_ =	strace $0x9000004B  }
0xba: {  	_ =	sfence  }
0xbb: {  	s30 =	sld [smem:$0x0];
	_ =	sdelay $0x2  }
0xbc: {  	s31 =	sshll.u32 s1, $0xD;
	s1 =	sshrl.u32 s1, $0x2  }
0xbd: {  	s3 =	sand.u32 $0x4000, s31;
	s1 =	sadd.s32 s1, s30  }
0xbe: {  	s0 =	sor.u32 s3, s0;
	s1 =	sshll.u32 s1, $0x11  }
0xbf: {  	s0 =	sor.u32 s1, s0  }
0xc0: {  	s0 =	sadd.s32 $0x8F2B, s0  }
0xc1: {  	[sflag:s0] =	ssyncadd.remote.s32 $0x1  }
0xc2: {  	_ =	sfence.sel $0xFFFF  }
0xc3: {  	[dreg:$0x0] =	wrdreg $0xFFFFFFFF;
	(pc) =	sbr.abs _section_cstart, $3  }
0xc4: {  	[dreg:$0x1] =	wrdreg $0xFFFFFFFF  }
0xc5: {  	_ =	task.clear_ibuf [dreg:s8], $0x2FFFF;
	_ =	strace $0x9FFFFFFF  }
0xc6: {  	(tm) =	ssettm $0x7FFFFFFF  }
0xc7: {  	_ =	shalt  }
tec
execute0_lowered:
.L_overlay_start_1:
0x0: {  	(tag) =	ssettag $0x1  }
0x1: {  	s2 =	srdreg.scid;
	s29 =	stileid.u32  }
0x2: {  	s7 =	sand.u32 $0x1, s2;
	s10 =	smul.u32 $0x2800, s29  }
0x3: {  	s0 =	rddreg [dreg:$0x0];
	s9 =	sor.u32 $0x10, s29;
	s8 =	smul.u32 $0x138800, s7  }
0x4: {  	s6 =	rddreg [dreg:$0x1];
	s11 =	sor.u32 $0x20, s29;
	s12 =	smul.u32 $0x2800, s9  }
0x5: {  	s1 =	rddreg [dreg:$0x2];
	s14 =	sor.u32 $0x30, s29;
	s15 =	smul.u32 $0x2800, s11  }
0x6: {  	s3 =	rddreg [dreg:$0x3];
	s18 =	sor.u32 $0x50, s29;
	s16 =	smul.u32 $0x2800, s14  }
0x7: {  	s4 =	rddreg [dreg:$0x4];
	s20 =	sor.u32 $0x60, s29;
	s22 =	smul.u32 $0x2800, s18  }
0x8: {  	s5 =	simm.s32 $0x0;
	s21 =	sor.u32 $0x70, s29;
	s23 =	smul.u32 $0x2800, s20  }
0x9: {  	s31 =	simm.s32 $0x2900;
	s17 =	sshll.u32 s29, $0x1;
	s24 =	smul.u32 $0x2800, s21  }
0xa: {  	s25 =	sadd.s32 $0xC16E00, s6;
	[smem:$0x7FF] =	sst s5;
	s9 =	smul.u32 $0xA000, s9  }
0xb: {  	p0 =	sgt.u32 s29, $0xC;
	s2 =	ssub.s32 $0x2, s7;
	s14 =	smul.u32 $0xA000, s14  }
0xc: {  	s17 =	sor.u32 s7, s17;
	s7 =	sshll.u32 s7, $0xB;
	s18 =	smul.u32 $0xA000, s18  }
0xd: {  	p2 =	sgt.u32 @!p0 s29, $0x9;
	s13 =	sshrl.u32 s2, $0x1;
	s7 =	sadd.s32 s7, s6  }
0xe: {  	s28 =	smul.u32 $0x2710, s17;
	p1 =	por p2, p0;
	p2 =	por !p2, p0  }
0xf: {  	s2 =	ssub.s32 s2, s13;
	s13 =	sor.u32 $0x40, s29;
	s10 =	sadd.s32 s10, s8  }
0x10: {  	s12 =	sadd.s32 s8, s12;
	s15 =	sadd.s32 s8, s15;
	s16 =	sadd.s32 s8, s16  }
0x11: {  	s22 =	sadd.s32 s8, s22;
	s23 =	sadd.s32 s8, s23;
	s9 =	sshrl.u32 s9, $0x2  }
0x12: {  	s19 =	smul.u32 $0x2800, s13;
	s10 =	sshrl.u32 s10, $0x3;
	s12 =	sshrl.u32 s12, $0x3  }
0x13: {  	s22 =	sshrl.u32 s22, $0x3;
	s23 =	sshrl.u32 s23, $0x3;
	s9 =	sadd.s32 s9, s3  }
0x14: {  	s2 =	smax.u32 s2, $0x1;
	s10 =	sadd.s32 s25, s10;
	s26 =	sadd.s32 s25, s12  }
0x15: {  	s12 =	sshrl.u32 s15, $0x3;
	s15 =	sshrl.u32 s16, $0x3;
	[dreg:$0x6] =	wrdreg s10  }
0x16: {  	s19 =	sadd.s32 s8, s19;
	s8 =	sadd.s32 s8, s24;
	[dreg:$0x7] =	wrdreg s26  }
0x17: {  	s10 =	sadd.s32 s25, s12;
	s24 =	sshll.u32 s29, $0x7;
	s26 =	smul.u32 $0xA000, s29  }
0x18: {  	s12 =	smul.u32 $0xA000, s11;
	s11 =	simm.s32 $0x2;
	[dreg:$0x8] =	wrdreg s10  }
0x19: {  	s16 =	sshrl.u32 s19, $0x3;
	s10 =	sadd.s32 s25, s15;
	s8 =	sshrl.u32 s8, $0x3  }
0x1a: {  	s15 =	sadd.s32 $0x2B000, s6;
	s6 =	sadd.s32 $0x1200, s6;
	[dreg:$0x9] =	wrdreg s10  }
0x1b: {  	s19 =	sadd.s32 s25, s16;
	s10 =	sadd.s32 s25, s22;
	s16 =	smul.u32 $0xA000, s13  }
0x1c: {  	s8 =	sadd.s32 s25, s8;
	s22 =	smul.u32 $0xA000, s21;
	[dreg:$0xa] =	wrdreg s19  }
0x1d: {  	s13 =	simm.s32 $0x0;
	[dreg:$0xb] =	wrdreg s10;
	s10 =	sadd.s32 s25, s23  }
0x1e: {  	[dreg:$0xd] =	wrdreg s8;
	s8 =	sand.u32 $0x400, s24;
	s25 =	sshll.u32 s29, $0x4  }
0x1f: {  	s19 =	smul.u32 $0xA000, s20;
	s20 =	sshrl.u32 s14, $0x2;
	s23 =	sshrl.u32 s18, $0x2  }
0x20: {  	s14 =	simm.s32 $0x3;
	[dreg:$0xc] =	wrdreg s10;
	s7 =	sadd.s32 s8, s7  }
0x21: {  	s8 =	sand.u32 $0x70, s25;
	s10 =	sshrl.u32 s26, $0x2;
	s24 =	sshrl.u32 s22, $0x2  }
0x22: {  	s25 =	smul.u32 $0xFA0, s29;
	s22 =	sadd.s32 s23, s3;
	s7 =	sadd.s32 s8, s7  }
0x23: {  	_ =	strace $0x8000004A;
	[dreg:$0xe] =	wrdreg s6;
	s30 =	sadd.s32 s10, s3  }
0x24: {  	s8 =	sshrl.u32 s12, $0x2;
	[dreg:$0xf] =	wrdreg s9;
	s6 =	sshrl.u32 s16, $0x2  }
0x25: {  	s9 =	sadd.s32 s20, s3;
	s24 =	sadd.s32 s24, s3;
	[dreg:$0x13] =	wrdreg s2  }
0x26: {  	s2 =	simm.s32 $0x180;
	s10 =	simm.s32 $0x1;
	s12 =	simm.s32 $0x5100  }
0x27: {  	s8 =	sadd.s32 s8, s3;
	[dreg:$0x11] =	wrdreg s9;
	s21 =	sadd.s32 s6, s3  }
0x28: {  	s26 =	sshrl.u32 s25, $0x2;
	s25 =	smul.u32 $0x7D00, s17;
	s29 =	sadd.s32 $0x1800, s7  }
0x29: {  	s6 =	simm.s32 $0x50;
	s7 =	simm.s32 $0x100;
	s9 =	simm.s32 $0x80  }
0x2a: {  	[dreg:$0x10] =	wrdreg s8;
	s8 =	sshrl.u32 s19, $0x2;
	s26 =	sadd.s32 s26, s4  }
0x2b: {  	v0 =	vimm.f32 $0.0e+00;
	v1 =	vlaneseq.u32;
	[dreg:$0x12] =	wrdreg s29;
	s23 =	sadd.s32 s8, s3;
	s8 =	simm.s32 $0x5180  }
.LBB2_1:
0x2c: {  	s16 =	simm.s32 $0x0;
	s17 =	simm.s32 $0x200  }
.LBB2_2:
0x2d: {  	p3 =	sne.s32 s17, $0x9E00;
	[tilespmem:s16+$0x2970] =	vst v0  }
0x2e: {  	[tilespmem:s16+$0x2900] =	vst v0  }
0x2f: {  	[tilespmem:s16+$0x2910] =	vst v0  }
.Ltmp0:
0x30: {  	[tilespmem:s16+$0x2920] =	vst v0;
	(pc) =	sbr.rel @p3 .LBB2_2-.Ltmp0, $4  }
0x31: {  	[tilespmem:s16+$0x2930] =	vst v0  }
0x32: {  	[tilespmem:s16+$0x2940] =	vst v0  }
0x33: {  	[tilespmem:s16+$0x2950] =	vst v0  }
0x34: {  	[tilespmem:s16+$0x2960] =	vst v0;
	s16 =	sshra.s32 s17, $0x2;
	s17 =	sadd.s32 $0x200, s17  }
0x35: {  	[tilespmem:s16+$0x2970] =	vst v0  }
0x36: {  	[tilespmem:s16+$0x2900] =	vst v0  }
0x37: {  	[tilespmem:s16+$0x2910] =	vst v0  }
0x38: {  	[tilespmem:s16+$0x2920] =	vst v0  }
0x39: {  	[tilespmem:s16+$0x2930] =	vst v0  }
0x3a: {  	[tilespmem:s16+$0x2940] =	vst v0  }
0x3b: {  	[tilespmem:s16+$0x2950] =	vst v0  }
0x3c: {  	[tilespmem:s16+$0x2960] =	vst v0;
	s16 =	simm.s32 $0x40;
	s17 =	simm.s32 $0x0  }
.LBB2_4:
0x3d: {  	p3 =	sne.s32 s16, $0xFC0;
	[tilespmem:s17+$0x5200] =	vst v0;
	s17 =	smov.u32 s16;
	s16 =	sadd.s32 $0x40, s16  }
.Ltmp1:
0x3e: {  	(pc) =	sbr.rel @p3 .LBB2_4-.Ltmp1, $2  }
0x3f: {  	_ =	sdelay $0x2  }
0x40: {  	s17 =	sshra.s32 s17, $0x2  }
0x41: {  	[tilespmem:s17+$0x5200] =	vst v0  }
0x42: {  	[spmem:s30] =	stream.linear.scatter [tilespmem:s31], [sflag:$0x3], $0x2800, $0x38;
	[tilespmem:$0x190F8] =	vst v63  }
0x43: {  	_ =	swait.ge [sflag:s14], $0x2800  }
0x44: {  	[sflag:s14] =	ssyncset.done $0x0  }
0x45: {  	s16 =	rddreg [dreg:$0xf];
	[sflag:s14] =	ssyncadd.s32 $0xFFFFD800  }
0x46: {  	[spmem:s16] =	stream.linear.scatter [tilespmem:s31], [sflag:$0x3], $0x2800, $0x38;
	[tilespmem:$0x190F8] =	vst v63  }
0x47: {  	_ =	swait.ge [sflag:s14], $0x2800  }
0x48: {  	[sflag:s14] =	ssyncset.done $0x0  }
0x49: {  	s18 =	rddreg [dreg:$0x10];
	[sflag:s14] =	ssyncadd.s32 $0xFFFFD800  }
0x4a: {  	[spmem:s18] =	stream.linear.scatter [tilespmem:s31], [sflag:$0x3], $0x2800, $0x38;
	[tilespmem:$0x190F8] =	vst v63  }
0x4b: {  	_ =	swait.ge [sflag:s14], $0x2800  }
0x4c: {  	[sflag:s14] =	ssyncset.done $0x0  }
0x4d: {  	s19 =	rddreg [dreg:$0x11];
	[sflag:s14] =	ssyncadd.s32 $0xFFFFD800  }
0x4e: {  	[spmem:s19] =	stream.linear.scatter [tilespmem:s31], [sflag:$0x3], $0x2800, $0x38;
	[tilespmem:$0x190F8] =	vst v63  }
0x4f: {  	_ =	swait.ge [sflag:s14], $0x2800  }
0x50: {  	[sflag:s14] =	ssyncset.done $0x0  }
0x51: {  	[sflag:s14] =	ssyncadd.s32 $0xFFFFD800  }
0x52: {  	[spmem:s21] =	stream.linear.scatter [tilespmem:s31], [sflag:$0x3], $0x2800, $0x38;
	[tilespmem:$0x190F8] =	vst v63  }
0x53: {  	_ =	swait.ge [sflag:s14], $0x2800  }
0x54: {  	[sflag:s14] =	ssyncset.done $0x0  }
0x55: {  	[sflag:s14] =	ssyncadd.s32 $0xFFFFD800  }
0x56: {  	[spmem:s22] =	stream.linear.scatter [tilespmem:s31], [sflag:$0x3], $0x2800, $0x38;
	[tilespmem:$0x190F8] =	vst v63  }
0x57: {  	_ =	swait.ge [sflag:s14], $0x2800  }
0x58: {  	[sflag:s14] =	ssyncset.done $0x0  }
0x59: {  	[sflag:s14] =	ssyncadd.s32 $0xFFFFD800  }
0x5a: {  	[spmem:s23] =	stream.linear.scatter [tilespmem:s31], [sflag:$0x3], $0x2800, $0x38;
	[tilespmem:$0x190F8] =	vst v63  }
0x5b: {  	_ =	swait.ge [sflag:s14], $0x2800  }
0x5c: {  	[sflag:s14] =	ssyncset.done $0x0  }
0x5d: {  	s16 =	simm.s32 @!p0 $0x2900;
	[sflag:s14] =	ssyncadd.s32 $0xFFFFD800  }
0x5e: {  	[spmem:s24] =	stream.linear.scatter @!p0 [tilespmem:s16], [sflag:$0x3], $0x2800, $0x38;
	[tilespmem:$0x190F8] =	vst v63  }
0x5f: {  	s16 =	simm.s32 @!p0 $0x3  }
0x60: {  	_ =	swait.ge @!p0 [sflag:s16], $0x2800  }
0x61: {  	[sflag:s16] =	ssyncset.done @!p0 $0x0  }
0x62: {  	[sflag:s16] =	ssyncadd.s32 @!p0 $0xFFFFD800;
	s16 =	simm.s32 @!p1 $0x5200  }
0x63: {  	[spmem:s26] =	stream.linear.scatter @!p1 [tilespmem:s16], [sflag:$0x3], $0x3E8, $0x38;
	[tilespmem:$0x190F8] =	vst v63  }
0x64: {  	s16 =	simm.s32 @!p1 $0x3  }
0x65: {  	_ =	swait.ge @!p1 [sflag:s16], $0x3E8  }
0x66: {  	s20 =	smov.u32 s30;
	[sflag:s16] =	ssyncset.done @!p1 $0x0  }
0x67: {  	s30 =	rddreg [dreg:$0xe];
	[sflag:s16] =	ssyncadd.s32 @!p1 $0xFFFFFC18;
	s16 =	simm.s32 $0x0  }
0x68: {  	[tilespmem:s2], [sflag:$0x3] =	stream.linear.gather [hbm4b:s30+s16], $0x2780, $0x38;
	[tilespmem:$0x190F8] =	vst v63  }
0x69: {  	_ =	swait.ge [sflag:s14], $0x2780  }
0x6a: {  	p3 =	por @!p0 $0x0, $0x0;
	p4 =	por @!p1 $0x1, $0x1;
	[sflag:s14] =	ssyncset.done $0x0  }
0x6b: {  	p4 =	por @!p2 p3, p3;
	p3 =	por $0x0, $0x0;
	[sflag:s14] =	ssyncadd.s32 $0xFFFFD880  }
0x6c: {  	s29 =	simm.s32 $0x0;
	p3 =	por @!p0 p4, p4;
	[bflag:$0x0] =	sbarrier.arrive $0xFFFF  }
.LBB2_6:
0x6d: {  	s17 =	sshll.u32 s29, $0x8  }
0x6e: {  	s17 =	sadd.s32 s25, s17  }
0x6f: {  	s17 =	sshrl.u32 s17, $0x3  }
0x70: {  	s17 =	sadd.s32 s0, s17  }
0x71: {  	[tilespmem:s16], [sflag:$0x3] =	stream.linear.gather [hbm4b:s17+s16], $0x100, $0x38;
	[tilespmem:$0x190F8] =	vst v63  }
0x72: {  	_ =	swait.ge [sflag:s14], $0x100  }
0x73: {  	[sflag:s14] =	ssyncset.done $0x0  }
0x74: {  	[sflag:s14] =	ssyncadd.s32 $0xFFFFFF00  }
0x75: {  	v2 =	vld [tilespmem:$0x0]  }
0x76: {  	v3 =	vld [tilespmem:$0x80]  }
0x77: {  	v4 =	vld [tilespmem:$0x10]  }
0x78: {  	v5 =	vld [tilespmem:$0x90]  }
0x79: {  	v6 =	vld [tilespmem:$0x20]  }
0x7a: {  	v7 =	vld [tilespmem:$0xA0]  }
0x7b: {  	v8 =	vld [tilespmem:$0x30]  }
0x7c: {  	v9 =	vld [tilespmem:$0x40]  }
0x7d: {  	v10 =	vld [tilespmem:$0xB0];
	v2 =	vmul.u32 $0x2710, v2  }
0x7e: {  	v11 =	vld [tilespmem:$0xC0];
	v4 =	vmul.u32 $0x2710, v4  }
0x7f: {  	v2 =	vadd.s32 v3, v2;
	v3 =	vmul.u32 $0x2710, v6  }
0x80: {  	[tilespmem:$0x100] =	vst v2;
	v2 =	vadd.s32 v5, v4;
	v4 =	vmul.u32 $0x2710, v8  }
0x81: {  	[tilespmem:$0x110] =	vst v2;
	v2 =	vadd.s32 v7, v3;
	v3 =	vmul.u32 $0x2710, v9  }
0x82: {  	[tilespmem:$0x120] =	vst v2;
	v2 =	vadd.s32 v10, v4  }
0x83: {  	[tilespmem:$0x130] =	vst v2;
	v2 =	vadd.s32 v11, v3  }
0x84: {  	[tilespmem:$0x140] =	vst v2  }
0x85: {  	[tilespmem:s8], [sflag:$0x1] =	stream.indirect.gather [hbm4b:s15+s6], $0x1, s7, s6, $0xb8;
	[tilespmem:$0x190F8] =	vst v63  }
0x86: {  	_ = 	snop  }
0x87: {  	[tilespmem:s31], [sflag:$0x2] =	stream.indirect.gather [hbm4b:s1+s6], $0x80, s9, s6, $0xb8;
	[tilespmem:$0x190F8] =	vst v63  }
0x88: {  	_ =	swait.ge [sflag:s10], $0x50  }
0x89: {  	[sflag:s10] =	ssyncset.done $0x0  }
0x8a: {  	[sflag:s10] =	ssyncadd.s32 $0xFFFFFFB0  }
0x8b: {  	_ =	swait.ge [sflag:s11], $0x2800  }
0x8c: {  	[sflag:s11] =	ssyncset.done $0x0  }
0x8d: {  	[sflag:s11] =	ssyncadd.s32 $0xFFFFD800  }
0x8e: {  	v2 =	vld [tilespmem:$0x80];
	_ =	sdelay $0x5  }
0x8f: {  	v3 =	vld [tilespmem:$0x5180]  }
0x90: {  	v4 =	vld [tilespmem:$0x90]  }
0x91: {  	s18 =	smul.u32 $0x50, s29;
	v2 =	vld.idx.msk [tilespmem:v2+s2+$0x0], $0xffff;
	_ =	sdelay $0x1  }
0x92: {  	s17 =	sadd.s32 s28, s18  }
0x93: {  	v5 =	vor.u32 s17, v1  }
0x94: {  	vm0 =	veq.s32 v3, v5  }
0x95: {  	v3 =	vld [tilespmem:$0x5190];
	v2 =	vnsel vm0, $0x0, v2  }
0x96: {  	[tilespmem:$0x5100] =	vst v2;
	v2 =	vld [tilespmem:$0xA0]  }
0x97: {  	v4 =	vld.idx.msk [tilespmem:v4+s2+$0x0], $0xffff;
	_ =	sdelay $0x1  }
0x98: {  	s18 =	sadd.s32 $0x10, s17  }
0x99: {  	v5 =	vor.u32 s18, v1  }
0x9a: {  	vm12 =	veq.s32 v3, v5  }
0x9b: {  	v3 =	vnsel vm12, $0x0, v4;
	v4 =	vld [tilespmem:$0x51A0]  }
0x9c: {  	[tilespmem:$0x5110] =	vst v3;
	v3 =	vld [tilespmem:$0xB0]  }
0x9d: {  	v2 =	vld.idx.msk [tilespmem:v2+s2+$0x0], $0xffff;
	_ =	sdelay $0x1  }
0x9e: {  	s19 =	sadd.s32 $0x20, s17  }
0x9f: {  	v5 =	vor.u32 s19, v1  }
0xa0: {  	vm13 =	veq.s32 v4, v5  }
0xa1: {  	v4 =	vld [tilespmem:$0x51B0];
	v2 =	vnsel vm13, $0x0, v2  }
0xa2: {  	[tilespmem:$0x5120] =	vst v2;
	v2 =	vld [tilespmem:$0xC0]  }
0xa3: {  	v3 =	vld.idx.msk [tilespmem:v3+s2+$0x0], $0xffff;
	_ =	sdelay $0x1  }
0xa4: {  	s19 =	sadd.s32 $0x30, s17  }
0xa5: {  	v5 =	vor.u32 s19, v1  }
0xa6: {  	vm14 =	veq.s32 v4, v5  }
0xa7: {  	v3 =	vnsel vm14, $0x0, v3  }
0xa8: {  	[tilespmem:$0x5130] =	vst v3;
	v3 =	vld [tilespmem:$0x51C0]  }
0xa9: {  	v2 =	vld.idx.msk [tilespmem:v2+s2+$0x0], $0xffff;
	_ =	sdelay $0x1  }
0xaa: {  	s17 =	sadd.s32 $0x40, s17  }
0xab: {  	v4 =	vor.u32 s17, v1  }
0xac: {  	vm15 =	veq.s32 v3, v4  }
0xad: {  	v3 =	vmov s16;
	v2 =	vnsel vm15, $0x0, v2  }
0xae: {  	s30 =	simm.s32 $0x2940;
	[tilespmem:$0x5140] =	vst v2  }
0xaf: {  	v6 =	vld [tilespmem:s30+$0x30]  }
0xb0: {  	v9 =	vld [tilespmem:s30+$0x10]  }
0xb1: {  	v7 =	vld [tilespmem:s30+$0xFFFFFFC0]  }
0xb2: {  	v3 =	vld.idx.msk [tilespmem:v3+s12+$0x0], $0xffff  }
0xb3: {  	v11 =	vld [tilespmem:s30+$0xFFFFFFE0]  }
0xb4: {  	v2 =	vld [tilespmem:s30+$0xFFFFFFF0]  }
0xb5: {  	v4 =	vld [tilespmem:s30+$0x20]  }
0xb6: {  	v5 =	vld [tilespmem:s30+$0xFFFFFFD0]  }
0xb7: {  	v10 =	vmul.f32 v6, v3;
	v6 =	vld [tilespmem:s30+$0x0]  }
0xb8: {  	v8 =	vmul.f32 v7, v3  }
0xb9: {  	s18 =	simm.s32 $0x2940;
	s17 =	simm.s32 $0x1;
	v7 =	vmul.f32 v11, v3;
	v9 =	vmul.f32 v9, v3  }
.LBB2_7:
0xba: {  	p4 =	sne.s32 s17, $0x4F  }
0xbb: {  	v5 =	vmul.f32 v5, v3;
	v4 =	vmul.f32 v4, v3;
	[tilespmem:s30+$0x30] =	vst v10;
	s18 =	sadd.s32 $0x80, s18;
	s19 =	smov.u32 s17;
	s17 =	sadd.s32 $0x1, s17  }
0xbc: {  	[tilespmem:s30+$0xFFFFFFC0] =	vst v8;
	v8 =	vmul.f32 v2, v3;
	v3 =	vmul.f32 v6, v3  }
0xbd: {  	[tilespmem:s30+$0x10] =	vst v9  }
0xbe: {  	v6 =	vmov s19;
	[tilespmem:s30+$0xFFFFFFE0] =	vst v7  }
0xbf: {  	v2 =	vld [tilespmem:s18+$0xFFFFFFF0];
	[tilespmem:s30+$0xFFFFFFF0] =	vst v8  }
0xc0: {  	v7 =	vld [tilespmem:s18+$0x30];
	[tilespmem:s30+$0x0] =	vst v3  }
0xc1: {  	v9 =	vld [tilespmem:s18+$0x10];
	[tilespmem:s30+$0x20] =	vst v4  }
0xc2: {  	v8 =	vld [tilespmem:s18+$0xFFFFFFC0];
	[tilespmem:s30+$0xFFFFFFD0] =	vst v5;
	s30 =	smov.u32 s18  }
0xc3: {  	v3 =	vld.idx.msk [tilespmem:v6+s12+$0x0], $0xffff  }
0xc4: {  	v11 =	vld [tilespmem:s18+$0xFFFFFFE0]  }
0xc5: {  	v4 =	vld [tilespmem:s18+$0x20]  }
.Ltmp2:
0xc6: {  	v5 =	vld [tilespmem:s18+$0xFFFFFFD0];
	(pc) =	sbr.rel @p4 .LBB2_7-.Ltmp2, $3  }
0xc7: {  	v6 =	vld [tilespmem:s18+$0x0];
	_ =	sdelay $0x1  }
0xc8: {  	v8 =	vmul.f32 v8, v3;
	v10 =	vmul.f32 v7, v3  }
0xc9: {  	v9 =	vmul.f32 v9, v3;
	v7 =	vmul.f32 v11, v3  }
0xca: {  	[tilespmem:s30+$0x30] =	vst v10  }
0xcb: {  	[tilespmem:s30+$0xFFFFFFC0] =	vst v8  }
0xcc: {  	v2 =	vmul.f32 v2, v3;
	[tilespmem:s30+$0x10] =	vst v9  }
0xcd: {  	v4 =	vmul.f32 v4, v3;
	[tilespmem:s30+$0xFFFFFFE0] =	vst v7  }
0xce: {  	v6 =	vmul.f32 v6, v3;
	[tilespmem:s30+$0xFFFFFFF0] =	vst v2  }
0xcf: {  	v2 =	vmul.f32 v5, v3;
	[tilespmem:s30+$0x20] =	vst v4  }
0xd0: {  	[tilespmem:s30+$0x0] =	vst v6  }
0xd1: {  	[tilespmem:s30+$0xFFFFFFD0] =	vst v2  }
0xd2: {  	[spmem:s3] =	stream.indirect.scatter.add.f32 [tilespmem:s31], [sflag:$0x1], $0x80, s5, s6, $0xb8;
	[tilespmem:$0x190F8] =	vst v63  }
0xd3: {  	s29 =	sadd.s32 $0x1, s29  }
0xd4: {  	[spmem:s4] =	stream.indirect.scatter.add.f32 [tilespmem:s12], [sflag:$0x2], $0x1, s5, s6, $0xb8;
	[tilespmem:$0x190F8] =	vst v63  }
0xd5: {  	p4 =	sne.s32 s29, $0x7D;
	_ =	swait.ge [sflag:s10], $0x2800  }
.Ltmp3:
0xd6: {  	[sflag:s10] =	ssyncset.done $0x0;
	(pc) =	sbr.rel @p4 .LBB2_6-.Ltmp3, $4  }
0xd7: {  	[sflag:s10] =	ssyncadd.s32 $0xFFFFD800  }
0xd8: {  	_ =	swait.ge [sflag:s11], $0x50  }
0xd9: {  	[sflag:s11] =	ssyncset.done $0x0  }
0xda: {  	[sflag:s11] =	ssyncadd.s32 $0xFFFFFFB0  }
0xdb: {  	[bflag:$0x0] =	sbarrier.arrive $0xFFFF  }
0xdc: {  	[tilespmem:s31], [sflag:$0x3] =	stream.linear.gather [spmem:s20], $0x2800, $0x38;
	[tilespmem:$0x190F8] =	vst v63  }
0xdd: {  	_ =	swait.ge [sflag:s14], $0x2800  }
0xde: {  	[sflag:s14] =	ssyncset.done $0x0  }
0xdf: {  	s16 =	rddreg [dreg:$0x6];
	[sflag:s14] =	ssyncadd.s32 $0xFFFFD800  }
0xe0: {  	[hbm4b:s16+s5] =	stream.linear.scatter [tilespmem:s31], [sflag:$0x3], $0x2800, $0x38;
	[tilespmem:$0x190F8] =	vst v63  }
0xe1: {  	_ =	swait.ge [sflag:s14], $0x2800  }
0xe2: {  	[sflag:s14] =	ssyncset.done $0x0  }
0xe3: {  	s17 =	rddreg [dreg:$0xf];
	[sflag:s14] =	ssyncadd.s32 $0xFFFFD800  }
0xe4: {  	[tilespmem:s31], [sflag:$0x3] =	stream.linear.gather [spmem:s17], $0x2800, $0x38;
	[tilespmem:$0x190F8] =	vst v63  }
0xe5: {  	_ =	swait.ge [sflag:s14], $0x2800  }
0xe6: {  	[sflag:s14] =	ssyncset.done $0x0  }
0xe7: {  	s18 =	rddreg [dreg:$0x7];
	[sflag:s14] =	ssyncadd.s32 $0xFFFFD800  }
0xe8: {  	[hbm4b:s18+s5] =	stream.linear.scatter [tilespmem:s31], [sflag:$0x3], $0x2800, $0x38;
	[tilespmem:$0x190F8] =	vst v63  }
0xe9: {  	_ =	swait.ge [sflag:s14], $0x2800  }
0xea: {  	[sflag:s14] =	ssyncset.done $0x0  }
0xeb: {  	s19 =	rddreg [dreg:$0x10];
	[sflag:s14] =	ssyncadd.s32 $0xFFFFD800  }
0xec: {  	[tilespmem:s31], [sflag:$0x3] =	stream.linear.gather [spmem:s19], $0x2800, $0x38;
	[tilespmem:$0x190F8] =	vst v63  }
0xed: {  	_ =	swait.ge [sflag:s14], $0x2800  }
0xee: {  	[sflag:s14] =	ssyncset.done $0x0  }
0xef: {  	s30 =	smov.u32 s20;
	s20 =	rddreg [dreg:$0x8];
	[sflag:s14] =	ssyncadd.s32 $0xFFFFD800  }
0xf0: {  	[hbm4b:s20+s5] =	stream.linear.scatter [tilespmem:s31], [sflag:$0x3], $0x2800, $0x38;
	[tilespmem:$0x190F8] =	vst v63  }
0xf1: {  	_ =	swait.ge [sflag:s14], $0x2800  }
0xf2: {  	[sflag:s14] =	ssyncset.done $0x0  }
0xf3: {  	s29 =	rddreg [dreg:$0x11];
	[sflag:s14] =	ssyncadd.s32 $0xFFFFD800  }
0xf4: {  	[tilespmem:s31], [sflag:$0x3] =	stream.linear.gather [spmem:s29], $0x2800, $0x38;
	[tilespmem:$0x190F8] =	vst v63  }
0xf5: {  	_ =	swait.ge [sflag:s14], $0x2800  }
0xf6: {  	[sflag:s14] =	ssyncset.done $0x0  }
0xf7: {  	s17 =	rddreg [dreg:$0x9];
	[sflag:s14] =	ssyncadd.s32 $0xFFFFD800  }
0xf8: {  	[hbm4b:s17+s5] =	stream.linear.scatter [tilespmem:s31], [sflag:$0x3], $0x2800, $0x38;
	[tilespmem:$0x190F8] =	vst v63  }
0xf9: {  	_ =	swait.ge [sflag:s14], $0x2800  }
0xfa: {  	[sflag:s14] =	ssyncset.done $0x0  }
0xfb: {  	[sflag:s14] =	ssyncadd.s32 $0xFFFFD800  }
0xfc: {  	[tilespmem:s31], [sflag:$0x3] =	stream.linear.gather [spmem:s21], $0x2800, $0x38;
	[tilespmem:$0x190F8] =	vst v63  }
0xfd: {  	_ =	swait.ge [sflag:s14], $0x2800  }
0xfe: {  	[sflag:s14] =	ssyncset.done $0x0  }
0xff: {  	s18 =	rddreg [dreg:$0xa];
	[sflag:s14] =	ssyncadd.s32 $0xFFFFD800  }
0x100: {  	[hbm4b:s18+s5] =	stream.linear.scatter [tilespmem:s31], [sflag:$0x3], $0x2800, $0x38;
	[tilespmem:$0x190F8] =	vst v63  }
0x101: {  	_ =	swait.ge [sflag:s14], $0x2800  }
0x102: {  	[sflag:s14] =	ssyncset.done $0x0  }
0x103: {  	[sflag:s14] =	ssyncadd.s32 $0xFFFFD800  }
0x104: {  	[tilespmem:s31], [sflag:$0x3] =	stream.linear.gather [spmem:s22], $0x2800, $0x38;
	[tilespmem:$0x190F8] =	vst v63  }
0x105: {  	_ =	swait.ge [sflag:s14], $0x2800  }
0x106: {  	[sflag:s14] =	ssyncset.done $0x0  }
0x107: {  	s19 =	rddreg [dreg:$0xb];
	[sflag:s14] =	ssyncadd.s32 $0xFFFFD800  }
0x108: {  	[hbm4b:s19+s5] =	stream.linear.scatter [tilespmem:s31], [sflag:$0x3], $0x2800, $0x38;
	[tilespmem:$0x190F8] =	vst v63  }
0x109: {  	_ =	swait.ge [sflag:s14], $0x2800  }
0x10a: {  	[sflag:s14] =	ssyncset.done $0x0  }
0x10b: {  	[sflag:s14] =	ssyncadd.s32 $0xFFFFD800  }
0x10c: {  	[tilespmem:s31], [sflag:$0x3] =	stream.linear.gather [spmem:s23], $0x2800, $0x38;
	[tilespmem:$0x190F8] =	vst v63  }
0x10d: {  	_ =	swait.ge [sflag:s14], $0x2800  }
0x10e: {  	[sflag:s14] =	ssyncset.done $0x0  }
0x10f: {  	s20 =	rddreg [dreg:$0xc];
	[sflag:s14] =	ssyncadd.s32 $0xFFFFD800  }
0x110: {  	[hbm4b:s20+s5] =	stream.linear.scatter [tilespmem:s31], [sflag:$0x3], $0x2800, $0x38;
	[tilespmem:$0x190F8] =	vst v63  }
0x111: {  	_ =	swait.ge [sflag:s14], $0x2800  }
0x112: {  	[sflag:s14] =	ssyncset.done $0x0  }
0x113: {  	s16 =	simm.s32 @!p0 $0x2900;
	s17 =	simm.s32 @!p0 $0x3;
	[sflag:s14] =	ssyncadd.s32 $0xFFFFD800  }
0x114: {  	[tilespmem:s16], [sflag:$0x3] =	stream.linear.gather @!p0 [spmem:s24], $0x2800, $0x38;
	[tilespmem:$0x190F8] =	vst v63  }
0x115: {  	_ =	swait.ge @!p0 [sflag:s17], $0x2800  }
0x116: {  	[sflag:s17] =	ssyncset.done @!p0 $0x0  }
0x117: {  	s18 =	simm.s32 @!p0 $0x0;
	s19 =	rddreg [dreg:$0xd];
	[sflag:s17] =	ssyncadd.s32 @!p0 $0xFFFFD800  }
0x118: {  	[hbm4b:s19+s18] =	stream.linear.scatter @!p0 [tilespmem:s16], [sflag:$0x3], $0x2800, $0x38;
	[tilespmem:$0x190F8] =	vst v63  }
0x119: {  	_ =	swait.ge @!p0 [sflag:s17], $0x2800  }
0x11a: {  	[sflag:s17] =	ssyncset.done @!p0 $0x0  }
0x11b: {  	s16 =	simm.s32 @p3 $0x5200;
	[sflag:s17] =	ssyncadd.s32 @!p0 $0xFFFFD800;
	s17 =	simm.s32 @p3 $0x3  }
0x11c: {  	[tilespmem:s16], [sflag:$0x3] =	stream.linear.gather @p3 [spmem:s26], $0x3E8, $0x38;
	[tilespmem:$0x190F8] =	vst v63  }
0x11d: {  	_ =	swait.ge @p3 [sflag:s17], $0x3E8  }
0x11e: {  	s18 =	simm.s32 @p3 $0x80;
	[sflag:s17] =	ssyncset.done @p3 $0x0  }
0x11f: {  	s19 =	simm.s32 @p3 $0x400;
	s20 =	rddreg [dreg:$0x12];
	[sflag:s17] =	ssyncadd.s32 @p3 $0xFFFFFC18  }
0x120: {  	[hbm4b:s20+s18] =	stream.strided.scatter @p3 [tilespmem:s16], [sflag:$0x3], $0x400, s19, s18, $0x38;
	[tilespmem:$0x190F8] =	vst v63  }
0x121: {  	_ =	swait.ge @p3 [sflag:s17], $0x400  }
0x122: {  	s13 =	sadd.s32 $0x1, s13;
	s29 =	rddreg [dreg:$0x13]  }
0x123: {  	p4 =	sne.s32 s13, s29  }
.Ltmp4:
0x124: {  	_ = 	snop;
	(pc) =	sbr.rel @p4 .LBB2_1-.Ltmp4, $3  }
0x125: {  	_ =	sdelay $0x1  }
0x126: {  	[sflag:s17] =	ssyncset.done @p3 $0x0  }
0x127: {  	[sflag:s17] =	ssyncadd.s32 @p3 $0xFFFFFC00  }
0x128: {  	_ =	sfence.sel $0x180000  }
0x129: {  	[bflag:$0x0] =	sbarrier.arrive $0xFFFF  }
0x12a: {  	_ =	strace $0x9000004A  }
0x12b: {  	s0 =	stileid.u32;
	[bflag:$0x2] =	sbarrier.arrive $0xFFFF  }
0x12c: {  	p0 =	sne.s32 s0, $0x0;
	s0 =	rddreg [dreg:$0x5]  }
0x12d: {  	s0 =	sadd.s32 @!p0 $0x100000, s0  }
0x12e: {  	[sflag:s0] =	ssyncadd.tile.s32 @!p0 $0x1;
	_ =	shalt  }
.Lfunc_end2:
_tile_overlayer_lowered:
.L_overlay_start_2:
0x12f: {  	(tag) =	ssettag $0x2  }
0x130: {  	s0 =	rddreg [dreg:$0x0];
	s2 =	stileid.u32  }
0x131: {  	s1 =	rddreg [dreg:$0x1];
	p0 =	sne.s32 s2, $0x0  }
0x132: {  	s3 =	rddreg [dreg:$0x2];
	[bflag:$0x3] =	sbarrier.arrive $0xFFFF;
	s2 =	simm.s32 @!p0 $0x1C03  }
0x133: {  	[timem:s3], [sflag:s2] =	dma.local @!p0 [hbm:s0], s1  }
0x134: {  	s0 =	simm.s32 @!p0 $0x3  }
0x135: {  	_ =	swait.ge @!p0 [sflag:s0], s1  }
0x136: {  	s1 =	ssub.s32 @!p0 $0x0, s1;
	[sflag:s0] =	ssyncset.done @!p0 $0x0  }
0x137: {  	[sflag:s0] =	ssyncadd.s32 @!p0 s1  }
0x138: {  	[bflag:$0x3] =	sbarrier.arrive $0xFFFF  }
0x139: {  	_ =	shalt  }

</sc_bundles>
